<compile_context>
chip_gen: v7x
topology: tpu7x:2x2x1
jax: 0.10.2.dev20260603
libtpu: 0.0.44.dev20260713+nightly
codegen_flags: <defaults>
</compile_context>

<pallas_src>
import functools

import jax
import jax.numpy as jnp
from jax.experimental import pallas as pl
from jax.experimental.pallas import tpu as pltpu
from jax.experimental.pallas import tpu_sc as plsc

_WINDOW = 400
_REPL = 32


def _sc_gather4(table, idx):
    m = idx.shape[1]
    d = table.shape[1]
    mesh = plsc.VectorSubcoreMesh(core_axis_name="core", subcore_axis_name="subcore")

    @functools.partial(
        pl.kernel,
        out_type=jax.ShapeDtypeStruct((m, 4 * d), table.dtype),
        mesh=mesh,
        scratch_types=[pltpu.SemaphoreType.DMA],
        compiler_params=pltpu.CompilerParams(use_tc_tiling_on_sc=False),
    )
    def k(table_hbm, idx_hbm, out_hbm, sem):
        def body(i0, i1, i2, i3, o0, o1, o2, o3):
            copies = [
                pltpu.async_copy(table_hbm.at[i_vmem.at[0]], o_vmem, sem)
                for i_vmem, o_vmem in zip((i0, i1, i2, i3), (o0, o1, o2, o3))
            ]
            for c in copies:
                c.wait()

        pltpu.emit_pipeline(
            body,
            grid=(m // _WINDOW,),
            in_specs=[
                pl.BlockSpec((1, _WINDOW), index_map=lambda i, f=f: (f, i))
                for f in range(4)
            ],
            out_specs=[
                pl.BlockSpec((_WINDOW, d), index_map=lambda i, f=f: (i, f))
                for f in range(4)
            ],
            core_axis_name=("core", "subcore"),
            dimension_semantics=(pltpu.PARALLEL,),
        )(idx_hbm, idx_hbm, idx_hbm, idx_hbm, out_hbm, out_hbm, out_hbm, out_hbm)

    return k(table, idx)


def kernel(lat, lon, sog, cog, W_lat, W_lon, W_sog, W_cog):
    b, l = lat.shape
    n = b * l
    d = W_lat.shape[1]

    sog_rep = jnp.tile(W_sog, (_REPL, 1))
    cog_rep = jnp.tile(W_cog, (_REPL, 1))
    table = jnp.concatenate([W_lat, W_lon, sog_rep, cog_rep], axis=0)
    o1 = W_lat.shape[0]
    o2 = o1 + W_lon.shape[0]
    o3 = o2 + sog_rep.shape[0]
    replica = jnp.arange(n, dtype=jnp.int32) % _REPL
    idx = jnp.stack(
        [
            lat.reshape(n).astype(jnp.int32),
            lon.reshape(n).astype(jnp.int32) + o1,
            sog.reshape(n).astype(jnp.int32) + (o2 + replica * W_sog.shape[0]),
            cog.reshape(n).astype(jnp.int32) + (o3 + replica * W_cog.shape[0]),
        ],
        axis=0,
    )

    out = _sc_gather4(table, idx)
    return out.reshape(b, l, 4 * d)

# --- scband reference (transcript-rebuilt; emitter-appended) ---
"""Pipeline reference for scband-trajectory-embedding-22926535426506 (READ-ONLY COPY).

The authoritative reference and input builder live on the scoring server;
editing this copy changes nothing except your own understanding.
"""

import jax, jax.numpy as jnp
import numpy as np

N_LAT = 100000
N_LON = 100000
N_SOG = 1000
N_COG = 1000
EMBED_DIM = 32
B = 16384
L = 200

def setup_inputs(seed: int = 0) -> dict:
    key = jax.random.key(seed)
    k_lat, k_lon, k_sog, k_cog, k_wlat, k_wlon, k_wsog, k_wcog = jax.random.split(key, 8)
    lat = jax.random.randint(k_lat, (B, L), 0, N_LAT, dtype=jnp.int64) if jax.config.jax_enable_x64 else jax.random.randint(k_lat, (B, L), 0, N_LAT, dtype=jnp.int32)
    lon = jax.random.randint(k_lon, (B, L), 0, N_LON, dtype=lat.dtype)
    sog = jax.random.randint(k_sog, (B, L), 0, N_SOG, dtype=lat.dtype)
    cog = jax.random.randint(k_cog, (B, L), 0, N_COG, dtype=lat.dtype)
    W_lat = jax.random.normal(k_wlat, (N_LAT, EMBED_DIM), dtype=jnp.float32)
    W_lon = jax.random.normal(k_wlon, (N_LON, EMBED_DIM), dtype=jnp.float32)
    W_sog = jax.random.normal(k_wsog, (N_SOG, EMBED_DIM), dtype=jnp.float32)
    W_cog = jax.random.normal(k_wcog, (N_COG, EMBED_DIM), dtype=jnp.float32)
    return {"lat": lat, "lon": lon, "sog": sog, "cog": cog,
            "W_lat": W_lat, "W_lon": W_lon, "W_sog": W_sog, "W_cog": W_cog}

def reference(lat, lon, sog, cog, W_lat, W_lon, W_sog, W_cog):
    lat_emb = jnp.take(W_lat, lat, axis=0)
    lon_emb = jnp.take(W_lon, lon, axis=0)
    sog_emb = jnp.take(W_sog, sog, axis=0)
    cog_emb = jnp.take(W_cog, cog, axis=0)
    combined = jnp.concatenate([lat_emb, lon_emb, sog_emb, cog_emb], axis=-1)
    return combined

if __name__ == "__main__":
    import jax
    _d = setup_inputs()
    print(jax.jit(kernel)(*tuple(_d.values())))

</pallas_src>

<mosaic_0001>
#map = affine_map<(d0, d1) -> (0, 0)>
module attributes {stable_mosaic.version = 14 : i64} {
  func.func @k(%arg0: i32, %arg1: i32, %arg2: memref<264000x32xf32, #tpu.memory_space<hbm>>, %arg3: memref<4x3276800xi32, #tpu.memory_space<hbm>>, %arg4: memref<3276800x128xf32, #tpu.memory_space<hbm>>, %arg5: memref<!tpu.dma_semaphore, #tpu.memory_space<semaphore_mem>>) attributes {dimension_semantics = [#tpu.dimension_semantics<core_parallel>, #tpu.dimension_semantics<subcore_parallel>], iteration_bounds = array<i64: 2, 16>, scalar_prefetch = 0 : i64, scratch_operands = 1 : i64, tpu.core_type = #tpu.core_type<sc_vector_subcore>, window_params = [{transform_indices = #map}, {transform_indices = #map}, {transform_indices = #map}]} {
    %mul3A = arith.constant 1 : i32
    %mul3A_0 = arith.muli %arg1, %mul3A : i32
    %add3A = arith.constant 0 : i32
    %add3A_1 = arith.addi %add3A, %mul3A_0 : i32
    %mul3A_2 = arith.constant 16 : i32
    %mul3A_3 = arith.muli %arg0, %mul3A_2 : i32
    %add3A_4 = arith.addi %add3A_1, %mul3A_3 : i32
    %mul3A_5 = arith.constant 256 : i32
    %mul3A_6 = arith.muli %add3A_4, %mul3A_5 : i32
    "tpu.region"() ({
      %run_scoped3A = memref.alloca() : memref<2x1x400xi32, #tpu.memory_space<vmem>>
      %run_scoped3A_7 = tpu.sem_alloc : memref<2x!tpu.dma_semaphore, #tpu.memory_space<semaphore_mem>>
      %run_scoped3A_8 = memref.alloca() : memref<2x1x400xi32, #tpu.memory_space<vmem>>
      %run_scoped3A_9 = tpu.sem_alloc : memref<2x!tpu.dma_semaphore, #tpu.memory_space<semaphore_mem>>
      %run_scoped3A_10 = memref.alloca() : memref<2x1x400xi32, #tpu.memory_space<vmem>>
      %run_scoped3A_11 = tpu.sem_alloc : memref<2x!tpu.dma_semaphore, #tpu.memory_space<semaphore_mem>>
      %run_scoped3A_12 = memref.alloca() : memref<2x1x400xi32, #tpu.memory_space<vmem>>
      %run_scoped3A_13 = tpu.sem_alloc : memref<2x!tpu.dma_semaphore, #tpu.memory_space<semaphore_mem>>
      %run_scoped3A_14 = memref.alloca() : memref<2x400x32xf32, #tpu.memory_space<vmem>>
      %run_scoped3A_15 = tpu.sem_alloc : memref<2x!tpu.dma_semaphore, #tpu.memory_space<semaphore_mem>>
      %run_scoped3A_16 = memref.alloca() : memref<2x400x32xf32, #tpu.memory_space<vmem>>
      %run_scoped3A_17 = tpu.sem_alloc : memref<2x!tpu.dma_semaphore, #tpu.memory_space<semaphore_mem>>
      %run_scoped3A_18 = memref.alloca() : memref<2x400x32xf32, #tpu.memory_space<vmem>>
      %run_scoped3A_19 = tpu.sem_alloc : memref<2x!tpu.dma_semaphore, #tpu.memory_space<semaphore_mem>>
      %run_scoped3A_20 = memref.alloca() : memref<2x400x32xf32, #tpu.memory_space<vmem>>
      %run_scoped3A_21 = tpu.sem_alloc : memref<2x!tpu.dma_semaphore, #tpu.memory_space<semaphore_mem>>
      %add3A_22 = arith.constant 0 : i32
      %add3A_23 = arith.addi %add3A_22, %mul3A_6 : i32
      %select_n3A = arith.constant true
      %select_n3A_24 = arith.constant 0 : i32
      %select_n3A_25 = arith.constant -1 : i32
      %select_n3A_26 = arith.select %select_n3A, %select_n3A_25, %select_n3A_24 : i32
      %eq3A = arith.constant -1 : i32
      %eq3A_27 = arith.cmpi eq, %select_n3A_26, %eq3A : i32
      %select_n3A_28 = arith.constant 255 : i32
      %select_n3A_29 = arith.select %eq3A_27, %select_n3A_28, %select_n3A_26 : i32
      %add3A_30 = arith.addi %select_n3A_29, %mul3A_6 : i32
      %select_n3A_31 = arith.constant true
      %select_n3A_32 = arith.constant 0 : i32
      %select_n3A_33 = arith.constant 1 : i32
      %select_n3A_34 = arith.select %select_n3A_31, %select_n3A_33, %select_n3A_32 : i32
      %eq3A_35 = arith.constant 256 : i32
      %eq3A_36 = arith.cmpi eq, %select_n3A_34, %eq3A_35 : i32
      %select_n3A_37 = arith.constant 0 : i32
      %select_n3A_38 = arith.select %eq3A_36, %select_n3A_37, %select_n3A_34 : i32
      %add3A_39 = arith.addi %select_n3A_38, %mul3A_6 : i32
      %add3A_40 = arith.constant 1 : i32
      %add3A_41 = arith.addi %select_n3A_38, %add3A_40 : i32
      %select_n3A_42 = arith.constant true
      %select_n3A_43 = arith.select %select_n3A_42, %add3A_41, %select_n3A_38 : i32
      %eq3A_44 = arith.constant 256 : i32
      %eq3A_45 = arith.cmpi eq, %select_n3A_43, %eq3A_44 : i32
      %select_n3A_46 = arith.constant 0 : i32
      %select_n3A_47 = arith.select %eq3A_45, %select_n3A_46, %select_n3A_43 : i32
      %add3A_48 = arith.addi %select_n3A_47, %mul3A_6 : i32
      "tpu.trace_start"() <{level = 10 : i32, message = "ep_initialize_0"}> : () -> ()
      %rem3A = arith.constant 0 : i32
      %rem3A_49 = arith.constant 2 : i32
      %rem3A_50 = arith.remui %rem3A, %rem3A_49 : i32
      %mul3A_51 = arith.constant 400 : i32
      %mul3A_52 = arith.muli %mul3A_51, %add3A_23 : i32
      %dma_start3A = arith.constant 0 : i32
      %dma_start3A_53 = arith.constant 0 : i32
      %dma_start3A_54 = tpu.memref_slice %run_scoped3A[%rem3A_50, %dma_start3A, %dma_start3A_53] : memref<2x1x400xi32, #tpu.memory_space<vmem>> -> memref<1x1x400xi32, #tpu.memory_space<vmem>>
      %dma_start3A_55 = tpu.memref_squeeze %dma_start3A_54 : memref<1x1x400xi32, #tpu.memory_space<vmem>> -> memref<1x400xi32, #tpu.memory_space<vmem>>
      %dma_start3A_56 = arith.constant 0 : i32
      %dma_start3A_57 = tpu.memref_slice %arg3[%dma_start3A_56, %mul3A_52] : memref<4x3276800xi32, #tpu.memory_space<hbm>> -> memref<1x400xi32, #tpu.memory_space<hbm>>
      %dma_start3A_58 = tpu.memref_slice %run_scoped3A_7[%rem3A_50] : memref<2x!tpu.dma_semaphore, #tpu.memory_space<semaphore_mem>> -> memref<1x!tpu.dma_semaphore, #tpu.memory_space<semaphore_mem>>
      %dma_start3A_59 = tpu.memref_squeeze %dma_start3A_58 : memref<1x!tpu.dma_semaphore, #tpu.memory_space<semaphore_mem>> -> memref<!tpu.dma_semaphore, #tpu.memory_space<semaphore_mem>>
      %dma_start3A_60 = arith.constant 0 : i32
      %dma_start3A_61 = arith.constant 0 : i32
      %dma_start3A_62 = tpu.memref_slice %run_scoped3A[%rem3A_50, %dma_start3A_60, %dma_start3A_61] : memref<2x1x400xi32, #tpu.memory_space<vmem>> -> memref<1x1x400xi32, #tpu.memory_space<vmem>>
      %dma_start3A_63 = tpu.memref_squeeze %dma_start3A_62 : memref<1x1x400xi32, #tpu.memory_space<vmem>> -> memref<1x400xi32, #tpu.memory_space<vmem>>
      %dma_start3A_64 = arith.constant 0 : i32
      %dma_start3A_65 = tpu.memref_slice %arg3[%dma_start3A_64, %mul3A_52] : memref<4x3276800xi32, #tpu.memory_space<hbm>> -> memref<1x400xi32, #tpu.memory_space<hbm>>
      tpu.enqueue_dma source(%dma_start3A_65 : memref<1x400xi32, #tpu.memory_space<hbm>>) target(%dma_start3A_63 : memref<1x400xi32, #tpu.memory_space<vmem>>) target_semaphore(%dma_start3A_59 : memref<!tpu.dma_semaphore, #tpu.memory_space<semaphore_mem>>)
      %add3A_66 = arith.constant 0 : i32
      %add3A_67 = arith.constant 1 : i32
      %add3A_68 = arith.addi %add3A_66, %add3A_67 : i32
      %select_n3A_69 = arith.constant true
      %select_n3A_70 = arith.constant 0 : i32
      %select_n3A_71 = arith.select %select_n3A_69, %add3A_68, %select_n3A_70 : i32
      %rem3A_72 = arith.constant 0 : i32
      %rem3A_73 = arith.constant 2 : i32
      %rem3A_74 = arith.remui %rem3A_72, %rem3A_73 : i32
      %mul3A_75 = arith.constant 400 : i32
      %mul3A_76 = arith.muli %mul3A_75, %add3A_23 : i32
      %dma_start3A_77 = arith.constant 0 : i32
      %dma_start3A_78 = arith.constant 0 : i32
      %dma_start3A_79 = tpu.memref_slice %run_scoped3A_8[%rem3A_74, %dma_start3A_77, %dma_start3A_78] : memref<2x1x400xi32, #tpu.memory_space<vmem>> -> memref<1x1x400xi32, #tpu.memory_space<vmem>>
      %dma_start3A_80 = tpu.memref_squeeze %dma_start3A_79 : memref<1x1x400xi32, #tpu.memory_space<vmem>> -> memref<1x400xi32, #tpu.memory_space<vmem>>
      %dma_start3A_81 = arith.constant 1 : i32
      %dma_start3A_82 = tpu.memref_slice %arg3[%dma_start3A_81, %mul3A_76] : memref<4x3276800xi32, #tpu.memory_space<hbm>> -> memref<1x400xi32, #tpu.memory_space<hbm>>
      %dma_start3A_83 = tpu.memref_slice %run_scoped3A_9[%rem3A_74] : memref<2x!tpu.dma_semaphore, #tpu.memory_space<semaphore_mem>> -> memref<1x!tpu.dma_semaphore, #tpu.memory_space<semaphore_mem>>
      %dma_start3A_84 = tpu.memref_squeeze %dma_start3A_83 : memref<1x!tpu.dma_semaphore, #tpu.memory_space<semaphore_mem>> -> memref<!tpu.dma_semaphore, #tpu.memory_space<semaphore_mem>>
      %dma_start3A_85 = arith.constant 0 : i32
      %dma_start3A_86 = arith.constant 0 : i32
      %dma_start3A_87 = tpu.memref_slice %run_scoped3A_8[%rem3A_74, %dma_start3A_85, %dma_start3A_86] : memref<2x1x400xi32, #tpu.memory_space<vmem>> -> memref<1x1x400xi32, #tpu.memory_space<vmem>>
      %dma_start3A_88 = tpu.memref_squeeze %dma_start3A_87 : memref<1x1x400xi32, #tpu.memory_space<vmem>> -> memref<1x400xi32, #tpu.memory_space<vmem>>
      %dma_start3A_89 = arith.constant 1 : i32
      %dma_start3A_90 = tpu.memref_slice %arg3[%dma_start3A_89, %mul3A_76] : memref<4x3276800xi32, #tpu.memory_space<hbm>> -> memref<1x400xi32, #tpu.memory_space<hbm>>
      tpu.enqueue_dma source(%dma_start3A_90 : memref<1x400xi32, #tpu.memory_space<hbm>>) target(%dma_start3A_88 : memref<1x400xi32, #tpu.memory_space<vmem>>) target_semaphore(%dma_start3A_84 : memref<!tpu.dma_semaphore, #tpu.memory_space<semaphore_mem>>)
      %add3A_91 = arith.constant 0 : i32
      %add3A_92 = arith.constant 1 : i32
      %add3A_93 = arith.addi %add3A_91, %add3A_92 : i32
      %select_n3A_94 = arith.constant true
      %select_n3A_95 = arith.constant 0 : i32
      %select_n3A_96 = arith.select %select_n3A_94, %add3A_93, %select_n3A_95 : i32
      %rem3A_97 = arith.constant 0 : i32
      %rem3A_98 = arith.constant 2 : i32
      %rem3A_99 = arith.remui %rem3A_97, %rem3A_98 : i32
      %mul3A_100 = arith.constant 400 : i32
      %mul3A_101 = arith.muli %mul3A_100, %add3A_23 : i32
      %dma_start3A_102 = arith.constant 0 : i32
      %dma_start3A_103 = arith.constant 0 : i32
      %dma_start3A_104 = tpu.memref_slice %run_scoped3A_10[%rem3A_99, %dma_start3A_102, %dma_start3A_103] : memref<2x1x400xi32, #tpu.memory_space<vmem>> -> memref<1x1x400xi32, #tpu.memory_space<vmem>>
      %dma_start3A_105 = tpu.memref_squeeze %dma_start3A_104 : memref<1x1x400xi32, #tpu.memory_space<vmem>> -> memref<1x400xi32, #tpu.memory_space<vmem>>
      %dma_start3A_106 = arith.constant 2 : i32
      %dma_start3A_107 = tpu.memref_slice %arg3[%dma_start3A_106, %mul3A_101] : memref<4x3276800xi32, #tpu.memory_space<hbm>> -> memref<1x400xi32, #tpu.memory_space<hbm>>
      %dma_start3A_108 = tpu.memref_slice %run_scoped3A_11[%rem3A_99] : memref<2x!tpu.dma_semaphore, #tpu.memory_space<semaphore_mem>> -> memref<1x!tpu.dma_semaphore, #tpu.memory_space<semaphore_mem>>
      %dma_start3A_109 = tpu.memref_squeeze %dma_start3A_108 : memref<1x!tpu.dma_semaphore, #tpu.memory_space<semaphore_mem>> -> memref<!tpu.dma_semaphore, #tpu.memory_space<semaphore_mem>>
      %dma_start3A_110 = arith.constant 0 : i32
      %dma_start3A_111 = arith.constant 0 : i32
      %dma_start3A_112 = tpu.memref_slice %run_scoped3A_10[%rem3A_99, %dma_start3A_110, %dma_start3A_111] : memref<2x1x400xi32, #tpu.memory_space<vmem>> -> memref<1x1x400xi32, #tpu.memory_space<vmem>>
      %dma_start3A_113 = tpu.memref_squeeze %dma_start3A_112 : memref<1x1x400xi32, #tpu.memory_space<vmem>> -> memref<1x400xi32, #tpu.memory_space<vmem>>
      %dma_start3A_114 = arith.constant 2 : i32
      %dma_start3A_115 = tpu.memref_slice %arg3[%dma_start3A_114, %mul3A_101] : memref<4x3276800xi32, #tpu.memory_space<hbm>> -> memref<1x400xi32, #tpu.memory_space<hbm>>
      tpu.enqueue_dma source(%dma_start3A_115 : memref<1x400xi32, #tpu.memory_space<hbm>>) target(%dma_start3A_113 : memref<1x400xi32, #tpu.memory_space<vmem>>) target_semaphore(%dma_start3A_109 : memref<!tpu.dma_semaphore, #tpu.memory_space<semaphore_mem>>)
      %add3A_116 = arith.constant 0 : i32
      %add3A_117 = arith.constant 1 : i32
      %add3A_118 = arith.addi %add3A_116, %add3A_117 : i32
      %select_n3A_119 = arith.constant true
      %select_n3A_120 = arith.constant 0 : i32
      %select_n3A_121 = arith.select %select_n3A_119, %add3A_118, %select_n3A_120 : i32
      %rem3A_122 = arith.constant 0 : i32
      %rem3A_123 = arith.constant 2 : i32
      %rem3A_124 = arith.remui %rem3A_122, %rem3A_123 : i32
      %mul3A_125 = arith.constant 400 : i32
      %mul3A_126 = arith.muli %mul3A_125, %add3A_23 : i32
      %dma_start3A_127 = arith.constant 0 : i32
      %dma_start3A_128 = arith.constant 0 : i32
      %dma_start3A_129 = tpu.memref_slice %run_scoped3A_12[%rem3A_124, %dma_start3A_127, %dma_start3A_128] : memref<2x1x400xi32, #tpu.memory_space<vmem>> -> memref<1x1x400xi32, #tpu.memory_space<vmem>>
      %dma_start3A_130 = tpu.memref_squeeze %dma_start3A_129 : memref<1x1x400xi32, #tpu.memory_space<vmem>> -> memref<1x400xi32, #tpu.memory_space<vmem>>
      %dma_start3A_131 = arith.constant 3 : i32
      %dma_start3A_132 = tpu.memref_slice %arg3[%dma_start3A_131, %mul3A_126] : memref<4x3276800xi32, #tpu.memory_space<hbm>> -> memref<1x400xi32, #tpu.memory_space<hbm>>
      %dma_start3A_133 = tpu.memref_slice %run_scoped3A_13[%rem3A_124] : memref<2x!tpu.dma_semaphore, #tpu.memory_space<semaphore_mem>> -> memref<1x!tpu.dma_semaphore, #tpu.memory_space<semaphore_mem>>
      %dma_start3A_134 = tpu.memref_squeeze %dma_start3A_133 : memref<1x!tpu.dma_semaphore, #tpu.memory_space<semaphore_mem>> -> memref<!tpu.dma_semaphore, #tpu.memory_space<semaphore_mem>>
      %dma_start3A_135 = arith.constant 0 : i32
      %dma_start3A_136 = arith.constant 0 : i32
      %dma_start3A_137 = tpu.memref_slice %run_scoped3A_12[%rem3A_124, %dma_start3A_135, %dma_start3A_136] : memref<2x1x400xi32, #tpu.memory_space<vmem>> -> memref<1x1x400xi32, #tpu.memory_space<vmem>>
      %dma_start3A_138 = tpu.memref_squeeze %dma_start3A_137 : memref<1x1x400xi32, #tpu.memory_space<vmem>> -> memref<1x400xi32, #tpu.memory_space<vmem>>
      %dma_start3A_139 = arith.constant 3 : i32
      %dma_start3A_140 = tpu.memref_slice %arg3[%dma_start3A_139, %mul3A_126] : memref<4x3276800xi32, #tpu.memory_space<hbm>> -> memref<1x400xi32, #tpu.memory_space<hbm>>
      tpu.enqueue_dma source(%dma_start3A_140 : memref<1x400xi32, #tpu.memory_space<hbm>>) target(%dma_start3A_138 : memref<1x400xi32, #tpu.memory_space<vmem>>) target_semaphore(%dma_start3A_134 : memref<!tpu.dma_semaphore, #tpu.memory_space<semaphore_mem>>)
      %add3A_141 = arith.constant 0 : i32
      %add3A_142 = arith.constant 1 : i32
      %add3A_143 = arith.addi %add3A_141, %add3A_142 : i32
      %select_n3A_144 = arith.constant true
      %select_n3A_145 = arith.constant 0 : i32
      %select_n3A_146 = arith.select %select_n3A_144, %add3A_143, %select_n3A_145 : i32
      "tpu.trace_stop"() : () -> ()
      %scan3A = arith.constant 0 : i32
      %scan3A_147 = arith.constant 0 : i32
      %scan3A_148 = arith.constant 0 : i32
      %scan3A_149 = arith.constant 0 : i32
      %scan3A_150 = arith.constant 0 : i32
      %scan3A_151 = arith.constant 0 : i32
      %scan3A_152 = arith.constant 0 : i32
      %scan3A_153 = arith.constant 0 : i32
      %scan3A_154 = arith.constant 0 : i32
      %scan3A_155 = arith.constant 0 : i32
      %scan3A_156 = arith.constant 0 : i32
      %scan3A_157 = arith.constant 0 : i32
      %scan3A_158 = arith.constant 0 : i32
      %scan3A_159 = arith.constant 0 : i32
      %scan3A_160 = arith.constant 256 : i32
      %scan3A_161 = arith.addi %scan3A_159, %scan3A_160 : i32
      %scan3A_162 = arith.constant 1 : i32
      %scan3A_163:17 = scf.for %scan3A_271 = %scan3A_159 to %scan3A_161 step %scan3A_162 iter_args(%scan3A_272 = %select_n3A_71, %scan3A_273 = %scan3A, %scan3A_274 = %select_n3A_96, %scan3A_275 = %scan3A_147, %scan3A_276 = %select_n3A_121, %scan3A_277 = %scan3A_148, %scan3A_278 = %select_n3A_146, %scan3A_279 = %scan3A_149, %scan3A_280 = %scan3A_150, %scan3A_281 = %scan3A_151, %scan3A_282 = %scan3A_152, %scan3A_283 = %scan3A_153, %scan3A_284 = %scan3A_154, %scan3A_285 = %scan3A_155, %scan3A_286 = %scan3A_156, %scan3A_287 = %scan3A_157, %scan3A_288 = %scan3A_158) -> (i32, i32, i32, i32, i32, i32, i32, i32, i32, i32, i32, i32, i32, i32, i32, i32, i32)  : i32 {
        %eq3A_289 = arith.constant 0 : i32
        %eq3A_290 = arith.cmpi eq, %scan3A_271, %eq3A_289 : i32
        %eq3A_291 = arith.constant 255 : i32
        %eq3A_292 = arith.cmpi eq, %scan3A_271, %eq3A_291 : i32
        %add3A_293 = arith.addi %scan3A_288, %mul3A_6 : i32
        %sub3A_294 = arith.constant 1 : i32
        %sub3A_295 = arith.subi %scan3A_288, %sub3A_294 : i32
        %select_n3A_296 = arith.constant true
        %select_n3A_297 = arith.select %select_n3A_296, %sub3A_295, %scan3A_288 : i32
        %eq3A_298 = arith.constant -1 : i32
        %eq3A_299 = arith.cmpi eq, %select_n3A_297, %eq3A_298 : i32
        %select_n3A_300 = arith.constant 255 : i32
        %select_n3A_301 = arith.select %eq3A_299, %select_n3A_300, %select_n3A_297 : i32
        %add3A_302 = arith.addi %select_n3A_301, %mul3A_6 : i32
        %add3A_303 = arith.constant 1 : i32
        %add3A_304 = arith.addi %scan3A_288, %add3A_303 : i32
        %select_n3A_305 = arith.constant true
        %select_n3A_306 = arith.select %select_n3A_305, %add3A_304, %scan3A_288 : i32
        %eq3A_307 = arith.constant 256 : i32
        %eq3A_308 = arith.cmpi eq, %select_n3A_306, %eq3A_307 : i32
        %select_n3A_309 = arith.constant 0 : i32
        %select_n3A_310 = arith.select %eq3A_308, %select_n3A_309, %select_n3A_306 : i32
        %add3A_311 = arith.addi %select_n3A_310, %mul3A_6 : i32
        %add3A_312 = arith.constant 1 : i32
        %add3A_313 = arith.addi %select_n3A_310, %add3A_312 : i32
        %select_n3A_314 = arith.constant true
        %select_n3A_315 = arith.select %select_n3A_314, %add3A_313, %select_n3A_310 : i32
        %eq3A_316 = arith.constant 256 : i32
        %eq3A_317 = arith.cmpi eq, %select_n3A_315, %eq3A_316 : i32
        %select_n3A_318 = arith.constant 0 : i32
        %select_n3A_319 = arith.select %eq3A_317, %select_n3A_318, %select_n3A_315 : i32
        %add3A_320 = arith.addi %select_n3A_319, %mul3A_6 : i32
        %ne3A = arith.cmpi ne, %add3A_293, %add3A_311 : i32
        %or3A = arith.constant false
        %or3A_321 = arith.ori %or3A, %ne3A : i1
        %ge3A = arith.constant 255 : i32
        %ge3A_322 = arith.cmpi sge, %scan3A_271, %ge3A : i32
        %not3A = arith.constant true
        %not3A_323 = arith.xori %ge3A_322, %not3A : i1
        %and3A = arith.andi %or3A_321, %not3A_323 : i1
        %convert_element_type3A = arith.extui %and3A : i1 to i32
        %cond3A = arith.constant 0 : i32
        %cond3A_324 = arith.cmpi ne, %convert_element_type3A, %cond3A : i32
        scf.if %cond3A_324 {
          "tpu.trace_start"() <{level = 10 : i32, message = "ep_copy_in"}> : () -> ()
          %rem3A_854 = arith.constant 2 : i32
          %rem3A_855 = arith.remui %scan3A_272, %rem3A_854 : i32
          %mul3A_856 = arith.constant 400 : i32
          %mul3A_857 = arith.muli %mul3A_856, %add3A_311 : i32
          %dma_start3A_858 = arith.constant 0 : i32
          %dma_start3A_859 = arith.constant 0 : i32
          %dma_start3A_860 = tpu.memref_slice %run_scoped3A[%rem3A_855, %dma_start3A_858, %dma_start3A_859] : memref<2x1x400xi32, #tpu.memory_space<vmem>> -> memref<1x1x400xi32, #tpu.memory_space<vmem>>
          %dma_start3A_861 = tpu.memref_squeeze %dma_start3A_860 : memref<1x1x400xi32, #tpu.memory_space<vmem>> -> memref<1x400xi32, #tpu.memory_space<vmem>>
          %dma_start3A_862 = arith.constant 0 : i32
          %dma_start3A_863 = tpu.memref_slice %arg3[%dma_start3A_862, %mul3A_857] : memref<4x3276800xi32, #tpu.memory_space<hbm>> -> memref<1x400xi32, #tpu.memory_space<hbm>>
          %dma_start3A_864 = tpu.memref_slice %run_scoped3A_7[%rem3A_855] : memref<2x!tpu.dma_semaphore, #tpu.memory_space<semaphore_mem>> -> memref<1x!tpu.dma_semaphore, #tpu.memory_space<semaphore_mem>>
          %dma_start3A_865 = tpu.memref_squeeze %dma_start3A_864 : memref<1x!tpu.dma_semaphore, #tpu.memory_space<semaphore_mem>> -> memref<!tpu.dma_semaphore, #tpu.memory_space<semaphore_mem>>
          %dma_start3A_866 = arith.constant 0 : i32
          %dma_start3A_867 = arith.constant 0 : i32
          %dma_start3A_868 = tpu.memref_slice %run_scoped3A[%rem3A_855, %dma_start3A_866, %dma_start3A_867] : memref<2x1x400xi32, #tpu.memory_space<vmem>> -> memref<1x1x400xi32, #tpu.memory_space<vmem>>
          %dma_start3A_869 = tpu.memref_squeeze %dma_start3A_868 : memref<1x1x400xi32, #tpu.memory_space<vmem>> -> memref<1x400xi32, #tpu.memory_space<vmem>>
          %dma_start3A_870 = arith.constant 0 : i32
          %dma_start3A_871 = tpu.memref_slice %arg3[%dma_start3A_870, %mul3A_857] : memref<4x3276800xi32, #tpu.memory_space<hbm>> -> memref<1x400xi32, #tpu.memory_space<hbm>>
          tpu.enqueue_dma source(%dma_start3A_871 : memref<1x400xi32, #tpu.memory_space<hbm>>) target(%dma_start3A_869 : memref<1x400xi32, #tpu.memory_space<vmem>>) target_semaphore(%dma_start3A_865 : memref<!tpu.dma_semaphore, #tpu.memory_space<semaphore_mem>>)
          "tpu.trace_stop"() : () -> ()
        } else {
        }
        %and3A_325 = arith.constant true
        %and3A_326 = arith.andi %and3A, %and3A_325 : i1
        %add3A_327 = arith.constant 1 : i32
        %add3A_328 = arith.addi %scan3A_272, %add3A_327 : i32
        %select_n3A_329 = arith.select %and3A_326, %add3A_328, %scan3A_272 : i32
        %ne3A_330 = arith.cmpi ne, %add3A_293, %add3A_311 : i32
        %or3A_331 = arith.constant false
        %or3A_332 = arith.ori %or3A_331, %ne3A_330 : i1
        %ge3A_333 = arith.constant 255 : i32
        %ge3A_334 = arith.cmpi sge, %scan3A_271, %ge3A_333 : i32
        %not3A_335 = arith.constant true
        %not3A_336 = arith.xori %ge3A_334, %not3A_335 : i1
        %and3A_337 = arith.andi %or3A_332, %not3A_336 : i1
        %convert_element_type3A_338 = arith.extui %and3A_337 : i1 to i32
        %cond3A_339 = arith.constant 0 : i32
        %cond3A_340 = arith.cmpi ne, %convert_element_type3A_338, %cond3A_339 : i32
        scf.if %cond3A_340 {
          "tpu.trace_start"() <{level = 10 : i32, message = "ep_copy_in"}> : () -> ()
          %rem3A_854 = arith.constant 2 : i32
          %rem3A_855 = arith.remui %scan3A_274, %rem3A_854 : i32
          %mul3A_856 = arith.constant 400 : i32
          %mul3A_857 = arith.muli %mul3A_856, %add3A_311 : i32
          %dma_start3A_858 = arith.constant 0 : i32
          %dma_start3A_859 = arith.constant 0 : i32
          %dma_start3A_860 = tpu.memref_slice %run_scoped3A_8[%rem3A_855, %dma_start3A_858, %dma_start3A_859] : memref<2x1x400xi32, #tpu.memory_space<vmem>> -> memref<1x1x400xi32, #tpu.memory_space<vmem>>
          %dma_start3A_861 = tpu.memref_squeeze %dma_start3A_860 : memref<1x1x400xi32, #tpu.memory_space<vmem>> -> memref<1x400xi32, #tpu.memory_space<vmem>>
          %dma_start3A_862 = arith.constant 1 : i32
          %dma_start3A_863 = tpu.memref_slice %arg3[%dma_start3A_862, %mul3A_857] : memref<4x3276800xi32, #tpu.memory_space<hbm>> -> memref<1x400xi32, #tpu.memory_space<hbm>>
          %dma_start3A_864 = tpu.memref_slice %run_scoped3A_9[%rem3A_855] : memref<2x!tpu.dma_semaphore, #tpu.memory_space<semaphore_mem>> -> memref<1x!tpu.dma_semaphore, #tpu.memory_space<semaphore_mem>>
          %dma_start3A_865 = tpu.memref_squeeze %dma_start3A_864 : memref<1x!tpu.dma_semaphore, #tpu.memory_space<semaphore_mem>> -> memref<!tpu.dma_semaphore, #tpu.memory_space<semaphore_mem>>
          %dma_start3A_866 = arith.constant 0 : i32
          %dma_start3A_867 = arith.constant 0 : i32
          %dma_start3A_868 = tpu.memref_slice %run_scoped3A_8[%rem3A_855, %dma_start3A_866, %dma_start3A_867] : memref<2x1x400xi32, #tpu.memory_space<vmem>> -> memref<1x1x400xi32, #tpu.memory_space<vmem>>
          %dma_start3A_869 = tpu.memref_squeeze %dma_start3A_868 : memref<1x1x400xi32, #tpu.memory_space<vmem>> -> memref<1x400xi32, #tpu.memory_space<vmem>>
          %dma_start3A_870 = arith.constant 1 : i32
          %dma_start3A_871 = tpu.memref_slice %arg3[%dma_start3A_870, %mul3A_857] : memref<4x3276800xi32, #tpu.memory_space<hbm>> -> memref<1x400xi32, #tpu.memory_space<hbm>>
          tpu.enqueue_dma source(%dma_start3A_871 : memref<1x400xi32, #tpu.memory_space<hbm>>) target(%dma_start3A_869 : memref<1x400xi32, #tpu.memory_space<vmem>>) target_semaphore(%dma_start3A_865 : memref<!tpu.dma_semaphore, #tpu.memory_space<semaphore_mem>>)
          "tpu.trace_stop"() : () -> ()
        } else {
        }
        %and3A_341 = arith.constant true
        %and3A_342 = arith.andi %and3A_337, %and3A_341 : i1
        %add3A_343 = arith.constant 1 : i32
        %add3A_344 = arith.addi %scan3A_274, %add3A_343 : i32
        %select_n3A_345 = arith.select %and3A_342, %add3A_344, %scan3A_274 : i32
        %ne3A_346 = arith.cmpi ne, %add3A_293, %add3A_311 : i32
        %or3A_347 = arith.constant false
        %or3A_348 = arith.ori %or3A_347, %ne3A_346 : i1
        %ge3A_349 = arith.constant 255 : i32
        %ge3A_350 = arith.cmpi sge, %scan3A_271, %ge3A_349 : i32
        %not3A_351 = arith.constant true
        %not3A_352 = arith.xori %ge3A_350, %not3A_351 : i1
        %and3A_353 = arith.andi %or3A_348, %not3A_352 : i1
        %convert_element_type3A_354 = arith.extui %and3A_353 : i1 to i32
        %cond3A_355 = arith.constant 0 : i32
        %cond3A_356 = arith.cmpi ne, %convert_element_type3A_354, %cond3A_355 : i32
        scf.if %cond3A_356 {
          "tpu.trace_start"() <{level = 10 : i32, message = "ep_copy_in"}> : () -> ()
          %rem3A_854 = arith.constant 2 : i32
          %rem3A_855 = arith.remui %scan3A_276, %rem3A_854 : i32
          %mul3A_856 = arith.constant 400 : i32
          %mul3A_857 = arith.muli %mul3A_856, %add3A_311 : i32
          %dma_start3A_858 = arith.constant 0 : i32
          %dma_start3A_859 = arith.constant 0 : i32
          %dma_start3A_860 = tpu.memref_slice %run_scoped3A_10[%rem3A_855, %dma_start3A_858, %dma_start3A_859] : memref<2x1x400xi32, #tpu.memory_space<vmem>> -> memref<1x1x400xi32, #tpu.memory_space<vmem>>
          %dma_start3A_861 = tpu.memref_squeeze %dma_start3A_860 : memref<1x1x400xi32, #tpu.memory_space<vmem>> -> memref<1x400xi32, #tpu.memory_space<vmem>>
          %dma_start3A_862 = arith.constant 2 : i32
          %dma_start3A_863 = tpu.memref_slice %arg3[%dma_start3A_862, %mul3A_857] : memref<4x3276800xi32, #tpu.memory_space<hbm>> -> memref<1x400xi32, #tpu.memory_space<hbm>>
          %dma_start3A_864 = tpu.memref_slice %run_scoped3A_11[%rem3A_855] : memref<2x!tpu.dma_semaphore, #tpu.memory_space<semaphore_mem>> -> memref<1x!tpu.dma_semaphore, #tpu.memory_space<semaphore_mem>>
          %dma_start3A_865 = tpu.memref_squeeze %dma_start3A_864 : memref<1x!tpu.dma_semaphore, #tpu.memory_space<semaphore_mem>> -> memref<!tpu.dma_semaphore, #tpu.memory_space<semaphore_mem>>
          %dma_start3A_866 = arith.constant 0 : i32
          %dma_start3A_867 = arith.constant 0 : i32
          %dma_start3A_868 = tpu.memref_slice %run_scoped3A_10[%rem3A_855, %dma_start3A_866, %dma_start3A_867] : memref<2x1x400xi32, #tpu.memory_space<vmem>> -> memref<1x1x400xi32, #tpu.memory_space<vmem>>
          %dma_start3A_869 = tpu.memref_squeeze %dma_start3A_868 : memref<1x1x400xi32, #tpu.memory_space<vmem>> -> memref<1x400xi32, #tpu.memory_space<vmem>>
          %dma_start3A_870 = arith.constant 2 : i32
          %dma_start3A_871 = tpu.memref_slice %arg3[%dma_start3A_870, %mul3A_857] : memref<4x3276800xi32, #tpu.memory_space<hbm>> -> memref<1x400xi32, #tpu.memory_space<hbm>>
          tpu.enqueue_dma source(%dma_start3A_871 : memref<1x400xi32, #tpu.memory_space<hbm>>) target(%dma_start3A_869 : memref<1x400xi32, #tpu.memory_space<vmem>>) target_semaphore(%dma_start3A_865 : memref<!tpu.dma_semaphore, #tpu.memory_space<semaphore_mem>>)
          "tpu.trace_stop"() : () -> ()
        } else {
        }
        %and3A_357 = arith.constant true
        %and3A_358 = arith.andi %and3A_353, %and3A_357 : i1
        %add3A_359 = arith.constant 1 : i32
        %add3A_360 = arith.addi %scan3A_276, %add3A_359 : i32
        %select_n3A_361 = arith.select %and3A_358, %add3A_360, %scan3A_276 : i32
        %ne3A_362 = arith.cmpi ne, %add3A_293, %add3A_311 : i32
        %or3A_363 = arith.constant false
        %or3A_364 = arith.ori %or3A_363, %ne3A_362 : i1
        %ge3A_365 = arith.constant 255 : i32
        %ge3A_366 = arith.cmpi sge, %scan3A_271, %ge3A_365 : i32
        %not3A_367 = arith.constant true
        %not3A_368 = arith.xori %ge3A_366, %not3A_367 : i1
        %and3A_369 = arith.andi %or3A_364, %not3A_368 : i1
        %convert_element_type3A_370 = arith.extui %and3A_369 : i1 to i32
        %cond3A_371 = arith.constant 0 : i32
        %cond3A_372 = arith.cmpi ne, %convert_element_type3A_370, %cond3A_371 : i32
        scf.if %cond3A_372 {
          "tpu.trace_start"() <{level = 10 : i32, message = "ep_copy_in"}> : () -> ()
          %rem3A_854 = arith.constant 2 : i32
          %rem3A_855 = arith.remui %scan3A_278, %rem3A_854 : i32
          %mul3A_856 = arith.constant 400 : i32
          %mul3A_857 = arith.muli %mul3A_856, %add3A_311 : i32
          %dma_start3A_858 = arith.constant 0 : i32
          %dma_start3A_859 = arith.constant 0 : i32
          %dma_start3A_860 = tpu.memref_slice %run_scoped3A_12[%rem3A_855, %dma_start3A_858, %dma_start3A_859] : memref<2x1x400xi32, #tpu.memory_space<vmem>> -> memref<1x1x400xi32, #tpu.memory_space<vmem>>
          %dma_start3A_861 = tpu.memref_squeeze %dma_start3A_860 : memref<1x1x400xi32, #tpu.memory_space<vmem>> -> memref<1x400xi32, #tpu.memory_space<vmem>>
          %dma_start3A_862 = arith.constant 3 : i32
          %dma_start3A_863 = tpu.memref_slice %arg3[%dma_start3A_862, %mul3A_857] : memref<4x3276800xi32, #tpu.memory_space<hbm>> -> memref<1x400xi32, #tpu.memory_space<hbm>>
          %dma_start3A_864 = tpu.memref_slice %run_scoped3A_13[%rem3A_855] : memref<2x!tpu.dma_semaphore, #tpu.memory_space<semaphore_mem>> -> memref<1x!tpu.dma_semaphore, #tpu.memory_space<semaphore_mem>>
          %dma_start3A_865 = tpu.memref_squeeze %dma_start3A_864 : memref<1x!tpu.dma_semaphore, #tpu.memory_space<semaphore_mem>> -> memref<!tpu.dma_semaphore, #tpu.memory_space<semaphore_mem>>
          %dma_start3A_866 = arith.constant 0 : i32
          %dma_start3A_867 = arith.constant 0 : i32
          %dma_start3A_868 = tpu.memref_slice %run_scoped3A_12[%rem3A_855, %dma_start3A_866, %dma_start3A_867] : memref<2x1x400xi32, #tpu.memory_space<vmem>> -> memref<1x1x400xi32, #tpu.memory_space<vmem>>
          %dma_start3A_869 = tpu.memref_squeeze %dma_start3A_868 : memref<1x1x400xi32, #tpu.memory_space<vmem>> -> memref<1x400xi32, #tpu.memory_space<vmem>>
          %dma_start3A_870 = arith.constant 3 : i32
          %dma_start3A_871 = tpu.memref_slice %arg3[%dma_start3A_870, %mul3A_857] : memref<4x3276800xi32, #tpu.memory_space<hbm>> -> memref<1x400xi32, #tpu.memory_space<hbm>>
          tpu.enqueue_dma source(%dma_start3A_871 : memref<1x400xi32, #tpu.memory_space<hbm>>) target(%dma_start3A_869 : memref<1x400xi32, #tpu.memory_space<vmem>>) target_semaphore(%dma_start3A_865 : memref<!tpu.dma_semaphore, #tpu.memory_space<semaphore_mem>>)
          "tpu.trace_stop"() : () -> ()
        } else {
        }
        %and3A_373 = arith.constant true
        %and3A_374 = arith.andi %and3A_369, %and3A_373 : i1
        %add3A_375 = arith.constant 1 : i32
        %add3A_376 = arith.addi %scan3A_278, %add3A_375 : i32
        %select_n3A_377 = arith.select %and3A_374, %add3A_376, %scan3A_278 : i32
        %ne3A_378 = arith.cmpi ne, %add3A_293, %add3A_311 : i32
        %or3A_379 = arith.constant false
        %or3A_380 = arith.ori %or3A_379, %ne3A_378 : i1
        %or3A_381 = arith.constant false
        %or3A_382 = arith.ori %or3A_380, %or3A_381 : i1
        %ge3A_383 = arith.constant 255 : i32
        %ge3A_384 = arith.cmpi sge, %scan3A_271, %ge3A_383 : i32
        %not3A_385 = arith.constant true
        %not3A_386 = arith.xori %ge3A_384, %not3A_385 : i1
        %and3A_387 = arith.andi %or3A_382, %not3A_386 : i1
        %ne3A_388 = arith.cmpi ne, %add3A_293, %add3A_311 : i32
        %or3A_389 = arith.constant false
        %or3A_390 = arith.ori %or3A_389, %ne3A_388 : i1
        %or3A_391 = arith.constant false
        %or3A_392 = arith.ori %or3A_390, %or3A_391 : i1
        %ge3A_393 = arith.constant 255 : i32
        %ge3A_394 = arith.cmpi sge, %scan3A_271, %ge3A_393 : i32
        %not3A_395 = arith.constant true
        %not3A_396 = arith.xori %ge3A_394, %not3A_395 : i1
        %and3A_397 = arith.andi %or3A_392, %not3A_396 : i1
        %ne3A_398 = arith.cmpi ne, %add3A_293, %add3A_311 : i32
        %or3A_399 = arith.constant false
        %or3A_400 = arith.ori %or3A_399, %ne3A_398 : i1
        %or3A_401 = arith.constant false
        %or3A_402 = arith.ori %or3A_400, %or3A_401 : i1
        %ge3A_403 = arith.constant 255 : i32
        %ge3A_404 = arith.cmpi sge, %scan3A_271, %ge3A_403 : i32
        %not3A_405 = arith.constant true
        %not3A_406 = arith.xori %ge3A_404, %not3A_405 : i1
        %and3A_407 = arith.andi %or3A_402, %not3A_406 : i1
        %ne3A_408 = arith.cmpi ne, %add3A_293, %add3A_311 : i32
        %or3A_409 = arith.constant false
        %or3A_410 = arith.ori %or3A_409, %ne3A_408 : i1
        %or3A_411 = arith.constant false
        %or3A_412 = arith.ori %or3A_410, %or3A_411 : i1
        %ge3A_413 = arith.constant 255 : i32
        %ge3A_414 = arith.cmpi sge, %scan3A_271, %ge3A_413 : i32
        %not3A_415 = arith.constant true
        %not3A_416 = arith.xori %ge3A_414, %not3A_415 : i1
        %and3A_417 = arith.andi %or3A_412, %not3A_416 : i1
        %ne3A_418 = arith.cmpi ne, %add3A_293, %add3A_302 : i32
        %or3A_419 = arith.constant false
        %or3A_420 = arith.ori %or3A_419, %ne3A_418 : i1
        %or3A_421 = arith.ori %or3A_420, %eq3A_290 : i1
        %convert_element_type3A_422 = arith.extui %or3A_421 : i1 to i32
        %cond3A_423 = arith.constant 0 : i32
        %cond3A_424 = arith.cmpi ne, %convert_element_type3A_422, %cond3A_423 : i32
        scf.if %cond3A_424 {
          "tpu.trace_start"() <{level = 10 : i32, message = "ep_wait_in"}> : () -> ()
          %mul3A_854 = arith.constant 400 : i32
          %mul3A_855 = arith.muli %mul3A_854, %add3A_293 : i32
          %rem3A_856 = arith.constant 2 : i32
          %rem3A_857 = arith.remui %scan3A_273, %rem3A_856 : i32
          %dma_wait3A_858 = arith.constant 0 : i32
          %dma_wait3A_859 = arith.constant 0 : i32
          %dma_wait3A_860 = tpu.memref_slice %run_scoped3A[%rem3A_857, %dma_wait3A_858, %dma_wait3A_859] : memref<2x1x400xi32, #tpu.memory_space<vmem>> -> memref<1x1x400xi32, #tpu.memory_space<vmem>>
          %dma_wait3A_861 = tpu.memref_squeeze %dma_wait3A_860 : memref<1x1x400xi32, #tpu.memory_space<vmem>> -> memref<1x400xi32, #tpu.memory_space<vmem>>
          %dma_wait3A_862 = arith.constant 0 : i32
          %dma_wait3A_863 = tpu.memref_slice %arg3[%dma_wait3A_862, %mul3A_855] : memref<4x3276800xi32, #tpu.memory_space<hbm>> -> memref<1x400xi32, #tpu.memory_space<hbm>>
          %dma_wait3A_864 = tpu.memref_slice %run_scoped3A_7[%rem3A_857] : memref<2x!tpu.dma_semaphore, #tpu.memory_space<semaphore_mem>> -> memref<1x!tpu.dma_semaphore, #tpu.memory_space<semaphore_mem>>
          %dma_wait3A_865 = tpu.memref_squeeze %dma_wait3A_864 : memref<1x!tpu.dma_semaphore, #tpu.memory_space<semaphore_mem>> -> memref<!tpu.dma_semaphore, #tpu.memory_space<semaphore_mem>>
          %dma_wait3A_866 = arith.constant 0 : i32
          %dma_wait3A_867 = arith.constant 0 : i32
          %dma_wait3A_868 = tpu.memref_slice %run_scoped3A[%rem3A_857, %dma_wait3A_866, %dma_wait3A_867] : memref<2x1x400xi32, #tpu.memory_space<vmem>> -> memref<1x1x400xi32, #tpu.memory_space<vmem>>
          %dma_wait3A_869 = tpu.memref_squeeze %dma_wait3A_868 : memref<1x1x400xi32, #tpu.memory_space<vmem>> -> memref<1x400xi32, #tpu.memory_space<vmem>>
          %dma_wait3A_870 = arith.constant 0 : i32
          %dma_wait3A_871 = tpu.memref_slice %arg3[%dma_wait3A_870, %mul3A_855] : memref<4x3276800xi32, #tpu.memory_space<hbm>> -> memref<1x400xi32, #tpu.memory_space<hbm>>
          tpu.wait_dma2 semaphore(%dma_wait3A_865 : memref<!tpu.dma_semaphore, #tpu.memory_space<semaphore_mem>>) src(%dma_wait3A_871 : memref<1x400xi32, #tpu.memory_space<hbm>>) dst(%dma_wait3A_869 : memref<1x400xi32, #tpu.memory_space<vmem>>)
          "tpu.trace_stop"() : () -> ()
        } else {
        }
        %ne3A_425 = arith.cmpi ne, %add3A_293, %add3A_302 : i32
        %or3A_426 = arith.constant false
        %or3A_427 = arith.ori %or3A_426, %ne3A_425 : i1
        %or3A_428 = arith.ori %or3A_427, %eq3A_290 : i1
        %convert_element_type3A_429 = arith.extui %or3A_428 : i1 to i32
        %cond3A_430 = arith.constant 0 : i32
        %cond3A_431 = arith.cmpi ne, %convert_element_type3A_429, %cond3A_430 : i32
        scf.if %cond3A_431 {
          "tpu.trace_start"() <{level = 10 : i32, message = "ep_wait_in"}> : () -> ()
          %mul3A_854 = arith.constant 400 : i32
          %mul3A_855 = arith.muli %mul3A_854, %add3A_293 : i32
          %rem3A_856 = arith.constant 2 : i32
          %rem3A_857 = arith.remui %scan3A_275, %rem3A_856 : i32
          %dma_wait3A_858 = arith.constant 0 : i32
          %dma_wait3A_859 = arith.constant 0 : i32
          %dma_wait3A_860 = tpu.memref_slice %run_scoped3A_8[%rem3A_857, %dma_wait3A_858, %dma_wait3A_859] : memref<2x1x400xi32, #tpu.memory_space<vmem>> -> memref<1x1x400xi32, #tpu.memory_space<vmem>>
          %dma_wait3A_861 = tpu.memref_squeeze %dma_wait3A_860 : memref<1x1x400xi32, #tpu.memory_space<vmem>> -> memref<1x400xi32, #tpu.memory_space<vmem>>
          %dma_wait3A_862 = arith.constant 1 : i32
          %dma_wait3A_863 = tpu.memref_slice %arg3[%dma_wait3A_862, %mul3A_855] : memref<4x3276800xi32, #tpu.memory_space<hbm>> -> memref<1x400xi32, #tpu.memory_space<hbm>>
          %dma_wait3A_864 = tpu.memref_slice %run_scoped3A_9[%rem3A_857] : memref<2x!tpu.dma_semaphore, #tpu.memory_space<semaphore_mem>> -> memref<1x!tpu.dma_semaphore, #tpu.memory_space<semaphore_mem>>
          %dma_wait3A_865 = tpu.memref_squeeze %dma_wait3A_864 : memref<1x!tpu.dma_semaphore, #tpu.memory_space<semaphore_mem>> -> memref<!tpu.dma_semaphore, #tpu.memory_space<semaphore_mem>>
          %dma_wait3A_866 = arith.constant 0 : i32
          %dma_wait3A_867 = arith.constant 0 : i32
          %dma_wait3A_868 = tpu.memref_slice %run_scoped3A_8[%rem3A_857, %dma_wait3A_866, %dma_wait3A_867] : memref<2x1x400xi32, #tpu.memory_space<vmem>> -> memref<1x1x400xi32, #tpu.memory_space<vmem>>
          %dma_wait3A_869 = tpu.memref_squeeze %dma_wait3A_868 : memref<1x1x400xi32, #tpu.memory_space<vmem>> -> memref<1x400xi32, #tpu.memory_space<vmem>>
          %dma_wait3A_870 = arith.constant 1 : i32
          %dma_wait3A_871 = tpu.memref_slice %arg3[%dma_wait3A_870, %mul3A_855] : memref<4x3276800xi32, #tpu.memory_space<hbm>> -> memref<1x400xi32, #tpu.memory_space<hbm>>
          tpu.wait_dma2 semaphore(%dma_wait3A_865 : memref<!tpu.dma_semaphore, #tpu.memory_space<semaphore_mem>>) src(%dma_wait3A_871 : memref<1x400xi32, #tpu.memory_space<hbm>>) dst(%dma_wait3A_869 : memref<1x400xi32, #tpu.memory_space<vmem>>)
          "tpu.trace_stop"() : () -> ()
        } else {
        }
        %ne3A_432 = arith.cmpi ne, %add3A_293, %add3A_302 : i32
        %or3A_433 = arith.constant false
        %or3A_434 = arith.ori %or3A_433, %ne3A_432 : i1
        %or3A_435 = arith.ori %or3A_434, %eq3A_290 : i1
        %convert_element_type3A_436 = arith.extui %or3A_435 : i1 to i32
        %cond3A_437 = arith.constant 0 : i32
        %cond3A_438 = arith.cmpi ne, %convert_element_type3A_436, %cond3A_437 : i32
        scf.if %cond3A_438 {
          "tpu.trace_start"() <{level = 10 : i32, message = "ep_wait_in"}> : () -> ()
          %mul3A_854 = arith.constant 400 : i32
          %mul3A_855 = arith.muli %mul3A_854, %add3A_293 : i32
          %rem3A_856 = arith.constant 2 : i32
          %rem3A_857 = arith.remui %scan3A_277, %rem3A_856 : i32
          %dma_wait3A_858 = arith.constant 0 : i32
          %dma_wait3A_859 = arith.constant 0 : i32
          %dma_wait3A_860 = tpu.memref_slice %run_scoped3A_10[%rem3A_857, %dma_wait3A_858, %dma_wait3A_859] : memref<2x1x400xi32, #tpu.memory_space<vmem>> -> memref<1x1x400xi32, #tpu.memory_space<vmem>>
          %dma_wait3A_861 = tpu.memref_squeeze %dma_wait3A_860 : memref<1x1x400xi32, #tpu.memory_space<vmem>> -> memref<1x400xi32, #tpu.memory_space<vmem>>
          %dma_wait3A_862 = arith.constant 2 : i32
          %dma_wait3A_863 = tpu.memref_slice %arg3[%dma_wait3A_862, %mul3A_855] : memref<4x3276800xi32, #tpu.memory_space<hbm>> -> memref<1x400xi32, #tpu.memory_space<hbm>>
          %dma_wait3A_864 = tpu.memref_slice %run_scoped3A_11[%rem3A_857] : memref<2x!tpu.dma_semaphore, #tpu.memory_space<semaphore_mem>> -> memref<1x!tpu.dma_semaphore, #tpu.memory_space<semaphore_mem>>
          %dma_wait3A_865 = tpu.memref_squeeze %dma_wait3A_864 : memref<1x!tpu.dma_semaphore, #tpu.memory_space<semaphore_mem>> -> memref<!tpu.dma_semaphore, #tpu.memory_space<semaphore_mem>>
          %dma_wait3A_866 = arith.constant 0 : i32
          %dma_wait3A_867 = arith.constant 0 : i32
          %dma_wait3A_868 = tpu.memref_slice %run_scoped3A_10[%rem3A_857, %dma_wait3A_866, %dma_wait3A_867] : memref<2x1x400xi32, #tpu.memory_space<vmem>> -> memref<1x1x400xi32, #tpu.memory_space<vmem>>
          %dma_wait3A_869 = tpu.memref_squeeze %dma_wait3A_868 : memref<1x1x400xi32, #tpu.memory_space<vmem>> -> memref<1x400xi32, #tpu.memory_space<vmem>>
          %dma_wait3A_870 = arith.constant 2 : i32
          %dma_wait3A_871 = tpu.memref_slice %arg3[%dma_wait3A_870, %mul3A_855] : memref<4x3276800xi32, #tpu.memory_space<hbm>> -> memref<1x400xi32, #tpu.memory_space<hbm>>
          tpu.wait_dma2 semaphore(%dma_wait3A_865 : memref<!tpu.dma_semaphore, #tpu.memory_space<semaphore_mem>>) src(%dma_wait3A_871 : memref<1x400xi32, #tpu.memory_space<hbm>>) dst(%dma_wait3A_869 : memref<1x400xi32, #tpu.memory_space<vmem>>)
          "tpu.trace_stop"() : () -> ()
        } else {
        }
        %ne3A_439 = arith.cmpi ne, %add3A_293, %add3A_302 : i32
        %or3A_440 = arith.constant false
        %or3A_441 = arith.ori %or3A_440, %ne3A_439 : i1
        %or3A_442 = arith.ori %or3A_441, %eq3A_290 : i1
        %convert_element_type3A_443 = arith.extui %or3A_442 : i1 to i32
        %cond3A_444 = arith.constant 0 : i32
        %cond3A_445 = arith.cmpi ne, %convert_element_type3A_443, %cond3A_444 : i32
        scf.if %cond3A_445 {
          "tpu.trace_start"() <{level = 10 : i32, message = "ep_wait_in"}> : () -> ()
          %mul3A_854 = arith.constant 400 : i32
          %mul3A_855 = arith.muli %mul3A_854, %add3A_293 : i32
          %rem3A_856 = arith.constant 2 : i32
          %rem3A_857 = arith.remui %scan3A_279, %rem3A_856 : i32
          %dma_wait3A_858 = arith.constant 0 : i32
          %dma_wait3A_859 = arith.constant 0 : i32
          %dma_wait3A_860 = tpu.memref_slice %run_scoped3A_12[%rem3A_857, %dma_wait3A_858, %dma_wait3A_859] : memref<2x1x400xi32, #tpu.memory_space<vmem>> -> memref<1x1x400xi32, #tpu.memory_space<vmem>>
          %dma_wait3A_861 = tpu.memref_squeeze %dma_wait3A_860 : memref<1x1x400xi32, #tpu.memory_space<vmem>> -> memref<1x400xi32, #tpu.memory_space<vmem>>
          %dma_wait3A_862 = arith.constant 3 : i32
          %dma_wait3A_863 = tpu.memref_slice %arg3[%dma_wait3A_862, %mul3A_855] : memref<4x3276800xi32, #tpu.memory_space<hbm>> -> memref<1x400xi32, #tpu.memory_space<hbm>>
          %dma_wait3A_864 = tpu.memref_slice %run_scoped3A_13[%rem3A_857] : memref<2x!tpu.dma_semaphore, #tpu.memory_space<semaphore_mem>> -> memref<1x!tpu.dma_semaphore, #tpu.memory_space<semaphore_mem>>
          %dma_wait3A_865 = tpu.memref_squeeze %dma_wait3A_864 : memref<1x!tpu.dma_semaphore, #tpu.memory_space<semaphore_mem>> -> memref<!tpu.dma_semaphore, #tpu.memory_space<semaphore_mem>>
          %dma_wait3A_866 = arith.constant 0 : i32
          %dma_wait3A_867 = arith.constant 0 : i32
          %dma_wait3A_868 = tpu.memref_slice %run_scoped3A_12[%rem3A_857, %dma_wait3A_866, %dma_wait3A_867] : memref<2x1x400xi32, #tpu.memory_space<vmem>> -> memref<1x1x400xi32, #tpu.memory_space<vmem>>
          %dma_wait3A_869 = tpu.memref_squeeze %dma_wait3A_868 : memref<1x1x400xi32, #tpu.memory_space<vmem>> -> memref<1x400xi32, #tpu.memory_space<vmem>>
          %dma_wait3A_870 = arith.constant 3 : i32
          %dma_wait3A_871 = tpu.memref_slice %arg3[%dma_wait3A_870, %mul3A_855] : memref<4x3276800xi32, #tpu.memory_space<hbm>> -> memref<1x400xi32, #tpu.memory_space<hbm>>
          tpu.wait_dma2 semaphore(%dma_wait3A_865 : memref<!tpu.dma_semaphore, #tpu.memory_space<semaphore_mem>>) src(%dma_wait3A_871 : memref<1x400xi32, #tpu.memory_space<hbm>>) dst(%dma_wait3A_869 : memref<1x400xi32, #tpu.memory_space<vmem>>)
          "tpu.trace_stop"() : () -> ()
        } else {
        }
        %ne3A_446 = arith.cmpi ne, %add3A_293, %add3A_302 : i32
        %or3A_447 = arith.constant false
        %or3A_448 = arith.ori %or3A_447, %ne3A_446 : i1
        %or3A_449 = arith.constant false
        %or3A_450 = arith.ori %or3A_448, %or3A_449 : i1
        %or3A_451 = arith.ori %or3A_450, %eq3A_290 : i1
        %convert_element_type3A_452 = arith.extui %or3A_451 : i1 to i32
        %cond3A_453 = arith.constant 0 : i32
        %cond3A_454 = arith.cmpi ne, %convert_element_type3A_452, %cond3A_453 : i32
        scf.if %cond3A_454 {
        } else {
        }
        %ne3A_455 = arith.cmpi ne, %add3A_293, %add3A_302 : i32
        %or3A_456 = arith.constant false
        %or3A_457 = arith.ori %or3A_456, %ne3A_455 : i1
        %or3A_458 = arith.constant false
        %or3A_459 = arith.ori %or3A_457, %or3A_458 : i1
        %or3A_460 = arith.ori %or3A_459, %eq3A_290 : i1
        %convert_element_type3A_461 = arith.extui %or3A_460 : i1 to i32
        %cond3A_462 = arith.constant 0 : i32
        %cond3A_463 = arith.cmpi ne, %convert_element_type3A_461, %cond3A_462 : i32
        scf.if %cond3A_463 {
        } else {
        }
        %ne3A_464 = arith.cmpi ne, %add3A_293, %add3A_302 : i32
        %or3A_465 = arith.constant false
        %or3A_466 = arith.ori %or3A_465, %ne3A_464 : i1
        %or3A_467 = arith.constant false
        %or3A_468 = arith.ori %or3A_466, %or3A_467 : i1
        %or3A_469 = arith.ori %or3A_468, %eq3A_290 : i1
        %convert_element_type3A_470 = arith.extui %or3A_469 : i1 to i32
        %cond3A_471 = arith.constant 0 : i32
        %cond3A_472 = arith.cmpi ne, %convert_element_type3A_470, %cond3A_471 : i32
        scf.if %cond3A_472 {
        } else {
        }
        %ne3A_473 = arith.cmpi ne, %add3A_293, %add3A_302 : i32
        %or3A_474 = arith.constant false
        %or3A_475 = arith.ori %or3A_474, %ne3A_473 : i1
        %or3A_476 = arith.constant false
        %or3A_477 = arith.ori %or3A_475, %or3A_476 : i1
        %or3A_478 = arith.ori %or3A_477, %eq3A_290 : i1
        %convert_element_type3A_479 = arith.extui %or3A_478 : i1 to i32
        %cond3A_480 = arith.constant 0 : i32
        %cond3A_481 = arith.cmpi ne, %convert_element_type3A_479, %cond3A_480 : i32
        scf.if %cond3A_481 {
        } else {
        }
        %rem3A_482 = arith.constant 2 : i32
        %rem3A_483 = arith.remui %scan3A_273, %rem3A_482 : i32
        %rem3A_484 = arith.constant 2 : i32
        %rem3A_485 = arith.remui %scan3A_275, %rem3A_484 : i32
        %rem3A_486 = arith.constant 2 : i32
        %rem3A_487 = arith.remui %scan3A_277, %rem3A_486 : i32
        %rem3A_488 = arith.constant 2 : i32
        %rem3A_489 = arith.remui %scan3A_279, %rem3A_488 : i32
        %rem3A_490 = arith.constant 2 : i32
        %rem3A_491 = arith.remui %scan3A_280, %rem3A_490 : i32
        %rem3A_492 = arith.constant 2 : i32
        %rem3A_493 = arith.remui %scan3A_282, %rem3A_492 : i32
        %rem3A_494 = arith.constant 2 : i32
        %rem3A_495 = arith.remui %scan3A_284, %rem3A_494 : i32
        %rem3A_496 = arith.constant 2 : i32
        %rem3A_497 = arith.remui %scan3A_286, %rem3A_496 : i32
        %dma_start3A_498 = arith.constant 0 : i32
        "tpu.trace_start"() <{level = 10 : i32, message = "ep_run_kernel"}> : () -> ()
        %dma_start3A_499 = arith.constant 0 : i32
        %dma_start3A_500 = arith.constant 0 : i32
        %dma_start3A_501 = tpu.memref_slice %run_scoped3A_14[%rem3A_491, %dma_start3A_499, %dma_start3A_500] : memref<2x400x32xf32, #tpu.memory_space<vmem>> -> memref<1x400x32xf32, #tpu.memory_space<vmem>>
        %dma_start3A_502 = tpu.memref_squeeze %dma_start3A_501 : memref<1x400x32xf32, #tpu.memory_space<vmem>> -> memref<400x32xf32, #tpu.memory_space<vmem>>
        %dma_start3A_503 = arith.constant 0 : i32
        %dma_start3A_504 = arith.constant 0 : i32
        %dma_start3A_505 = tpu.memref_slice %run_scoped3A[%rem3A_483, %dma_start3A_503, %dma_start3A_504] : memref<2x1x400xi32, #tpu.memory_space<vmem>> -> memref<1x1x400xi32, #tpu.memory_space<vmem>>
        %dma_start3A_506 = tpu.memref_squeeze %dma_start3A_505 : memref<1x1x400xi32, #tpu.memory_space<vmem>> -> memref<1x400xi32, #tpu.memory_space<vmem>>
        %dma_start3A_507 = arith.constant 0 : i32
        %dma_start3A_508 = tpu.memref_slice %dma_start3A_506[%dma_start3A_498, %dma_start3A_507] : memref<1x400xi32, #tpu.memory_space<vmem>> -> memref<1x400xi32, #tpu.memory_space<vmem>>
        %dma_start3A_509 = tpu.memref_squeeze %dma_start3A_508 : memref<1x400xi32, #tpu.memory_space<vmem>> -> memref<400xi32, #tpu.memory_space<vmem>>
        %dma_start3A_510 = arith.constant 0 : i32
        %dma_start3A_511 = arith.constant 0 : i32
        %dma_start3A_512 = tpu.memref_slice %arg2[%dma_start3A_510, %dma_start3A_511] : memref<264000x32xf32, #tpu.memory_space<hbm>> -> memref<264000x32xf32, #tpu.memory_space<hbm>>
        tpu.enqueue_indirect_dma source(%dma_start3A_512 : memref<264000x32xf32, #tpu.memory_space<hbm>>) target(%dma_start3A_502 : memref<400x32xf32, #tpu.memory_space<vmem>>) offsets(%dma_start3A_509 : memref<400xi32, #tpu.memory_space<vmem>>) semaphore(%arg5 : memref<!tpu.dma_semaphore, #tpu.memory_space<semaphore_mem>>)
        %dma_start3A_513 = arith.constant 0 : i32
        %dma_start3A_514 = arith.constant 0 : i32
        %dma_start3A_515 = arith.constant 0 : i32
        %dma_start3A_516 = tpu.memref_slice %run_scoped3A_16[%rem3A_493, %dma_start3A_514, %dma_start3A_515] : memref<2x400x32xf32, #tpu.memory_space<vmem>> -> memref<1x400x32xf32, #tpu.memory_space<vmem>>
        %dma_start3A_517 = tpu.memref_squeeze %dma_start3A_516 : memref<1x400x32xf32, #tpu.memory_space<vmem>> -> memref<400x32xf32, #tpu.memory_space<vmem>>
        %dma_start3A_518 = arith.constant 0 : i32
        %dma_start3A_519 = arith.constant 0 : i32
        %dma_start3A_520 = tpu.memref_slice %run_scoped3A_8[%rem3A_485, %dma_start3A_518, %dma_start3A_519] : memref<2x1x400xi32, #tpu.memory_space<vmem>> -> memref<1x1x400xi32, #tpu.memory_space<vmem>>
        %dma_start3A_521 = tpu.memref_squeeze %dma_start3A_520 : memref<1x1x400xi32, #tpu.memory_space<vmem>> -> memref<1x400xi32, #tpu.memory_space<vmem>>
        %dma_start3A_522 = arith.constant 0 : i32
        %dma_start3A_523 = tpu.memref_slice %dma_start3A_521[%dma_start3A_513, %dma_start3A_522] : memref<1x400xi32, #tpu.memory_space<vmem>> -> memref<1x400xi32, #tpu.memory_space<vmem>>
        %dma_start3A_524 = tpu.memref_squeeze %dma_start3A_523 : memref<1x400xi32, #tpu.memory_space<vmem>> -> memref<400xi32, #tpu.memory_space<vmem>>
        %dma_start3A_525 = arith.constant 0 : i32
        %dma_start3A_526 = arith.constant 0 : i32
        %dma_start3A_527 = tpu.memref_slice %arg2[%dma_start3A_525, %dma_start3A_526] : memref<264000x32xf32, #tpu.memory_space<hbm>> -> memref<264000x32xf32, #tpu.memory_space<hbm>>
        tpu.enqueue_indirect_dma source(%dma_start3A_527 : memref<264000x32xf32, #tpu.memory_space<hbm>>) target(%dma_start3A_517 : memref<400x32xf32, #tpu.memory_space<vmem>>) offsets(%dma_start3A_524 : memref<400xi32, #tpu.memory_space<vmem>>) semaphore(%arg5 : memref<!tpu.dma_semaphore, #tpu.memory_space<semaphore_mem>>)
        %dma_start3A_528 = arith.constant 0 : i32
        %dma_start3A_529 = arith.constant 0 : i32
        %dma_start3A_530 = arith.constant 0 : i32
        %dma_start3A_531 = tpu.memref_slice %run_scoped3A_18[%rem3A_495, %dma_start3A_529, %dma_start3A_530] : memref<2x400x32xf32, #tpu.memory_space<vmem>> -> memref<1x400x32xf32, #tpu.memory_space<vmem>>
        %dma_start3A_532 = tpu.memref_squeeze %dma_start3A_531 : memref<1x400x32xf32, #tpu.memory_space<vmem>> -> memref<400x32xf32, #tpu.memory_space<vmem>>
        %dma_start3A_533 = arith.constant 0 : i32
        %dma_start3A_534 = arith.constant 0 : i32
        %dma_start3A_535 = tpu.memref_slice %run_scoped3A_10[%rem3A_487, %dma_start3A_533, %dma_start3A_534] : memref<2x1x400xi32, #tpu.memory_space<vmem>> -> memref<1x1x400xi32, #tpu.memory_space<vmem>>
        %dma_start3A_536 = tpu.memref_squeeze %dma_start3A_535 : memref<1x1x400xi32, #tpu.memory_space<vmem>> -> memref<1x400xi32, #tpu.memory_space<vmem>>
        %dma_start3A_537 = arith.constant 0 : i32
        %dma_start3A_538 = tpu.memref_slice %dma_start3A_536[%dma_start3A_528, %dma_start3A_537] : memref<1x400xi32, #tpu.memory_space<vmem>> -> memref<1x400xi32, #tpu.memory_space<vmem>>
        %dma_start3A_539 = tpu.memref_squeeze %dma_start3A_538 : memref<1x400xi32, #tpu.memory_space<vmem>> -> memref<400xi32, #tpu.memory_space<vmem>>
        %dma_start3A_540 = arith.constant 0 : i32
        %dma_start3A_541 = arith.constant 0 : i32
        %dma_start3A_542 = tpu.memref_slice %arg2[%dma_start3A_540, %dma_start3A_541] : memref<264000x32xf32, #tpu.memory_space<hbm>> -> memref<264000x32xf32, #tpu.memory_space<hbm>>
        tpu.enqueue_indirect_dma source(%dma_start3A_542 : memref<264000x32xf32, #tpu.memory_space<hbm>>) target(%dma_start3A_532 : memref<400x32xf32, #tpu.memory_space<vmem>>) offsets(%dma_start3A_539 : memref<400xi32, #tpu.memory_space<vmem>>) semaphore(%arg5 : memref<!tpu.dma_semaphore, #tpu.memory_space<semaphore_mem>>)
        %dma_start3A_543 = arith.constant 0 : i32
        %dma_start3A_544 = arith.constant 0 : i32
        %dma_start3A_545 = arith.constant 0 : i32
        %dma_start3A_546 = tpu.memref_slice %run_scoped3A_20[%rem3A_497, %dma_start3A_544, %dma_start3A_545] : memref<2x400x32xf32, #tpu.memory_space<vmem>> -> memref<1x400x32xf32, #tpu.memory_space<vmem>>
        %dma_start3A_547 = tpu.memref_squeeze %dma_start3A_546 : memref<1x400x32xf32, #tpu.memory_space<vmem>> -> memref<400x32xf32, #tpu.memory_space<vmem>>
        %dma_start3A_548 = arith.constant 0 : i32
        %dma_start3A_549 = arith.constant 0 : i32
        %dma_start3A_550 = tpu.memref_slice %run_scoped3A_12[%rem3A_489, %dma_start3A_548, %dma_start3A_549] : memref<2x1x400xi32, #tpu.memory_space<vmem>> -> memref<1x1x400xi32, #tpu.memory_space<vmem>>
        %dma_start3A_551 = tpu.memref_squeeze %dma_start3A_550 : memref<1x1x400xi32, #tpu.memory_space<vmem>> -> memref<1x400xi32, #tpu.memory_space<vmem>>
        %dma_start3A_552 = arith.constant 0 : i32
        %dma_start3A_553 = tpu.memref_slice %dma_start3A_551[%dma_start3A_543, %dma_start3A_552] : memref<1x400xi32, #tpu.memory_space<vmem>> -> memref<1x400xi32, #tpu.memory_space<vmem>>
        %dma_start3A_554 = tpu.memref_squeeze %dma_start3A_553 : memref<1x400xi32, #tpu.memory_space<vmem>> -> memref<400xi32, #tpu.memory_space<vmem>>
        %dma_start3A_555 = arith.constant 0 : i32
        %dma_start3A_556 = arith.constant 0 : i32
        %dma_start3A_557 = tpu.memref_slice %arg2[%dma_start3A_555, %dma_start3A_556] : memref<264000x32xf32, #tpu.memory_space<hbm>> -> memref<264000x32xf32, #tpu.memory_space<hbm>>
        tpu.enqueue_indirect_dma source(%dma_start3A_557 : memref<264000x32xf32, #tpu.memory_space<hbm>>) target(%dma_start3A_547 : memref<400x32xf32, #tpu.memory_space<vmem>>) offsets(%dma_start3A_554 : memref<400xi32, #tpu.memory_space<vmem>>) semaphore(%arg5 : memref<!tpu.dma_semaphore, #tpu.memory_space<semaphore_mem>>)
        %dma_wait3A_558 = arith.constant 0 : i32
        %dma_wait3A_559 = arith.constant 0 : i32
        %dma_wait3A_560 = arith.constant 0 : i32
        %dma_wait3A_561 = tpu.memref_slice %run_scoped3A_14[%rem3A_491, %dma_wait3A_559, %dma_wait3A_560] : memref<2x400x32xf32, #tpu.memory_space<vmem>> -> memref<1x400x32xf32, #tpu.memory_space<vmem>>
        %dma_wait3A_562 = tpu.memref_squeeze %dma_wait3A_561 : memref<1x400x32xf32, #tpu.memory_space<vmem>> -> memref<400x32xf32, #tpu.memory_space<vmem>>
        %dma_wait3A_563 = arith.constant 0 : i32
        %dma_wait3A_564 = arith.constant 0 : i32
        %dma_wait3A_565 = tpu.memref_slice %run_scoped3A[%rem3A_483, %dma_wait3A_563, %dma_wait3A_564] : memref<2x1x400xi32, #tpu.memory_space<vmem>> -> memref<1x1x400xi32, #tpu.memory_space<vmem>>
        %dma_wait3A_566 = tpu.memref_squeeze %dma_wait3A_565 : memref<1x1x400xi32, #tpu.memory_space<vmem>> -> memref<1x400xi32, #tpu.memory_space<vmem>>
        %dma_wait3A_567 = arith.constant 0 : i32
        %dma_wait3A_568 = tpu.memref_slice %dma_wait3A_566[%dma_wait3A_558, %dma_wait3A_567] : memref<1x400xi32, #tpu.memory_space<vmem>> -> memref<1x400xi32, #tpu.memory_space<vmem>>
        %dma_wait3A_569 = tpu.memref_squeeze %dma_wait3A_568 : memref<1x400xi32, #tpu.memory_space<vmem>> -> memref<400xi32, #tpu.memory_space<vmem>>
        %dma_wait3A_570 = arith.constant 0 : i32
        %dma_wait3A_571 = arith.constant 0 : i32
        %dma_wait3A_572 = tpu.memref_slice %arg2[%dma_wait3A_570, %dma_wait3A_571] : memref<264000x32xf32, #tpu.memory_space<hbm>> -> memref<264000x32xf32, #tpu.memory_space<hbm>>
        tpu.wait_indirect_dma semaphore(%arg5 : memref<!tpu.dma_semaphore, #tpu.memory_space<semaphore_mem>>) src(%dma_wait3A_572 : memref<264000x32xf32, #tpu.memory_space<hbm>>) dst(%dma_wait3A_562 : memref<400x32xf32, #tpu.memory_space<vmem>>)
        %dma_wait3A_573 = arith.constant 0 : i32
        %dma_wait3A_574 = arith.constant 0 : i32
        %dma_wait3A_575 = arith.constant 0 : i32
        %dma_wait3A_576 = tpu.memref_slice %run_scoped3A_16[%rem3A_493, %dma_wait3A_574, %dma_wait3A_575] : memref<2x400x32xf32, #tpu.memory_space<vmem>> -> memref<1x400x32xf32, #tpu.memory_space<vmem>>
        %dma_wait3A_577 = tpu.memref_squeeze %dma_wait3A_576 : memref<1x400x32xf32, #tpu.memory_space<vmem>> -> memref<400x32xf32, #tpu.memory_space<vmem>>
        %dma_wait3A_578 = arith.constant 0 : i32
        %dma_wait3A_579 = arith.constant 0 : i32
        %dma_wait3A_580 = tpu.memref_slice %run_scoped3A_8[%rem3A_485, %dma_wait3A_578, %dma_wait3A_579] : memref<2x1x400xi32, #tpu.memory_space<vmem>> -> memref<1x1x400xi32, #tpu.memory_space<vmem>>
        %dma_wait3A_581 = tpu.memref_squeeze %dma_wait3A_580 : memref<1x1x400xi32, #tpu.memory_space<vmem>> -> memref<1x400xi32, #tpu.memory_space<vmem>>
        %dma_wait3A_582 = arith.constant 0 : i32
        %dma_wait3A_583 = tpu.memref_slice %dma_wait3A_581[%dma_wait3A_573, %dma_wait3A_582] : memref<1x400xi32, #tpu.memory_space<vmem>> -> memref<1x400xi32, #tpu.memory_space<vmem>>
        %dma_wait3A_584 = tpu.memref_squeeze %dma_wait3A_583 : memref<1x400xi32, #tpu.memory_space<vmem>> -> memref<400xi32, #tpu.memory_space<vmem>>
        %dma_wait3A_585 = arith.constant 0 : i32
        %dma_wait3A_586 = arith.constant 0 : i32
        %dma_wait3A_587 = tpu.memref_slice %arg2[%dma_wait3A_585, %dma_wait3A_586] : memref<264000x32xf32, #tpu.memory_space<hbm>> -> memref<264000x32xf32, #tpu.memory_space<hbm>>
        tpu.wait_indirect_dma semaphore(%arg5 : memref<!tpu.dma_semaphore, #tpu.memory_space<semaphore_mem>>) src(%dma_wait3A_587 : memref<264000x32xf32, #tpu.memory_space<hbm>>) dst(%dma_wait3A_577 : memref<400x32xf32, #tpu.memory_space<vmem>>)
        %dma_wait3A_588 = arith.constant 0 : i32
        %dma_wait3A_589 = arith.constant 0 : i32
        %dma_wait3A_590 = arith.constant 0 : i32
        %dma_wait3A_591 = tpu.memref_slice %run_scoped3A_18[%rem3A_495, %dma_wait3A_589, %dma_wait3A_590] : memref<2x400x32xf32, #tpu.memory_space<vmem>> -> memref<1x400x32xf32, #tpu.memory_space<vmem>>
        %dma_wait3A_592 = tpu.memref_squeeze %dma_wait3A_591 : memref<1x400x32xf32, #tpu.memory_space<vmem>> -> memref<400x32xf32, #tpu.memory_space<vmem>>
        %dma_wait3A_593 = arith.constant 0 : i32
        %dma_wait3A_594 = arith.constant 0 : i32
        %dma_wait3A_595 = tpu.memref_slice %run_scoped3A_10[%rem3A_487, %dma_wait3A_593, %dma_wait3A_594] : memref<2x1x400xi32, #tpu.memory_space<vmem>> -> memref<1x1x400xi32, #tpu.memory_space<vmem>>
        %dma_wait3A_596 = tpu.memref_squeeze %dma_wait3A_595 : memref<1x1x400xi32, #tpu.memory_space<vmem>> -> memref<1x400xi32, #tpu.memory_space<vmem>>
        %dma_wait3A_597 = arith.constant 0 : i32
        %dma_wait3A_598 = tpu.memref_slice %dma_wait3A_596[%dma_wait3A_588, %dma_wait3A_597] : memref<1x400xi32, #tpu.memory_space<vmem>> -> memref<1x400xi32, #tpu.memory_space<vmem>>
        %dma_wait3A_599 = tpu.memref_squeeze %dma_wait3A_598 : memref<1x400xi32, #tpu.memory_space<vmem>> -> memref<400xi32, #tpu.memory_space<vmem>>
        %dma_wait3A_600 = arith.constant 0 : i32
        %dma_wait3A_601 = arith.constant 0 : i32
        %dma_wait3A_602 = tpu.memref_slice %arg2[%dma_wait3A_600, %dma_wait3A_601] : memref<264000x32xf32, #tpu.memory_space<hbm>> -> memref<264000x32xf32, #tpu.memory_space<hbm>>
        tpu.wait_indirect_dma semaphore(%arg5 : memref<!tpu.dma_semaphore, #tpu.memory_space<semaphore_mem>>) src(%dma_wait3A_602 : memref<264000x32xf32, #tpu.memory_space<hbm>>) dst(%dma_wait3A_592 : memref<400x32xf32, #tpu.memory_space<vmem>>)
        %dma_wait3A_603 = arith.constant 0 : i32
        %dma_wait3A_604 = arith.constant 0 : i32
        %dma_wait3A_605 = arith.constant 0 : i32
        %dma_wait3A_606 = tpu.memref_slice %run_scoped3A_20[%rem3A_497, %dma_wait3A_604, %dma_wait3A_605] : memref<2x400x32xf32, #tpu.memory_space<vmem>> -> memref<1x400x32xf32, #tpu.memory_space<vmem>>
        %dma_wait3A_607 = tpu.memref_squeeze %dma_wait3A_606 : memref<1x400x32xf32, #tpu.memory_space<vmem>> -> memref<400x32xf32, #tpu.memory_space<vmem>>
        %dma_wait3A_608 = arith.constant 0 : i32
        %dma_wait3A_609 = arith.constant 0 : i32
        %dma_wait3A_610 = tpu.memref_slice %run_scoped3A_12[%rem3A_489, %dma_wait3A_608, %dma_wait3A_609] : memref<2x1x400xi32, #tpu.memory_space<vmem>> -> memref<1x1x400xi32, #tpu.memory_space<vmem>>
        %dma_wait3A_611 = tpu.memref_squeeze %dma_wait3A_610 : memref<1x1x400xi32, #tpu.memory_space<vmem>> -> memref<1x400xi32, #tpu.memory_space<vmem>>
        %dma_wait3A_612 = arith.constant 0 : i32
        %dma_wait3A_613 = tpu.memref_slice %dma_wait3A_611[%dma_wait3A_603, %dma_wait3A_612] : memref<1x400xi32, #tpu.memory_space<vmem>> -> memref<1x400xi32, #tpu.memory_space<vmem>>
        %dma_wait3A_614 = tpu.memref_squeeze %dma_wait3A_613 : memref<1x400xi32, #tpu.memory_space<vmem>> -> memref<400xi32, #tpu.memory_space<vmem>>
        %dma_wait3A_615 = arith.constant 0 : i32
        %dma_wait3A_616 = arith.constant 0 : i32
        %dma_wait3A_617 = tpu.memref_slice %arg2[%dma_wait3A_615, %dma_wait3A_616] : memref<264000x32xf32, #tpu.memory_space<hbm>> -> memref<264000x32xf32, #tpu.memory_space<hbm>>
        tpu.wait_indirect_dma semaphore(%arg5 : memref<!tpu.dma_semaphore, #tpu.memory_space<semaphore_mem>>) src(%dma_wait3A_617 : memref<264000x32xf32, #tpu.memory_space<hbm>>) dst(%dma_wait3A_607 : memref<400x32xf32, #tpu.memory_space<vmem>>)
        "tpu.trace_stop"() : () -> ()
        %ne3A_618 = arith.cmpi ne, %add3A_293, %add3A_311 : i32
        %or3A_619 = arith.constant false
        %or3A_620 = arith.ori %or3A_619, %ne3A_618 : i1
        %or3A_621 = arith.ori %or3A_620, %eq3A_292 : i1
        %convert_element_type3A_622 = arith.extui %or3A_621 : i1 to i32
        %cond3A_623 = arith.constant 0 : i32
        %cond3A_624 = arith.cmpi ne, %convert_element_type3A_622, %cond3A_623 : i32
        scf.if %cond3A_624 {
        } else {
        }
        %and3A_625 = arith.constant false
        %and3A_626 = arith.andi %or3A_621, %and3A_625 : i1
        %ne3A_627 = arith.cmpi ne, %add3A_293, %add3A_311 : i32
        %or3A_628 = arith.constant false
        %or3A_629 = arith.ori %or3A_628, %ne3A_627 : i1
        %or3A_630 = arith.ori %or3A_629, %eq3A_292 : i1
        %convert_element_type3A_631 = arith.extui %or3A_630 : i1 to i32
        %cond3A_632 = arith.constant 0 : i32
        %cond3A_633 = arith.cmpi ne, %convert_element_type3A_631, %cond3A_632 : i32
        scf.if %cond3A_633 {
        } else {
        }
        %and3A_634 = arith.constant false
        %and3A_635 = arith.andi %or3A_630, %and3A_634 : i1
        %ne3A_636 = arith.cmpi ne, %add3A_293, %add3A_311 : i32
        %or3A_637 = arith.constant false
        %or3A_638 = arith.ori %or3A_637, %ne3A_636 : i1
        %or3A_639 = arith.ori %or3A_638, %eq3A_292 : i1
        %convert_element_type3A_640 = arith.extui %or3A_639 : i1 to i32
        %cond3A_641 = arith.constant 0 : i32
        %cond3A_642 = arith.cmpi ne, %convert_element_type3A_640, %cond3A_641 : i32
        scf.if %cond3A_642 {
        } else {
        }
        %and3A_643 = arith.constant false
        %and3A_644 = arith.andi %or3A_639, %and3A_643 : i1
        %ne3A_645 = arith.cmpi ne, %add3A_293, %add3A_311 : i32
        %or3A_646 = arith.constant false
        %or3A_647 = arith.ori %or3A_646, %ne3A_645 : i1
        %or3A_648 = arith.ori %or3A_647, %eq3A_292 : i1
        %convert_element_type3A_649 = arith.extui %or3A_648 : i1 to i32
        %cond3A_650 = arith.constant 0 : i32
        %cond3A_651 = arith.cmpi ne, %convert_element_type3A_649, %cond3A_650 : i32
        scf.if %cond3A_651 {
        } else {
        }
        %and3A_652 = arith.constant false
        %and3A_653 = arith.andi %or3A_648, %and3A_652 : i1
        %ne3A_654 = arith.cmpi ne, %add3A_293, %add3A_311 : i32
        %or3A_655 = arith.constant false
        %or3A_656 = arith.ori %or3A_655, %ne3A_654 : i1
        %or3A_657 = arith.constant false
        %or3A_658 = arith.ori %or3A_656, %or3A_657 : i1
        %or3A_659 = arith.ori %or3A_658, %eq3A_292 : i1
        %convert_element_type3A_660 = arith.extui %or3A_659 : i1 to i32
        %cond3A_661 = arith.constant 0 : i32
        %cond3A_662 = arith.cmpi ne, %convert_element_type3A_660, %cond3A_661 : i32
        scf.if %cond3A_662 {
          "tpu.trace_start"() <{level = 10 : i32, message = "ep_copy_out"}> : () -> ()
          %rem3A_854 = arith.constant 2 : i32
          %rem3A_855 = arith.remui %scan3A_280, %rem3A_854 : i32
          %mul3A_856 = arith.constant 400 : i32
          %mul3A_857 = arith.muli %mul3A_856, %add3A_293 : i32
          %dma_start3A_858 = arith.constant 0 : i32
          %dma_start3A_859 = arith.constant 0 : i32
          %dma_start3A_860 = tpu.memref_slice %run_scoped3A_14[%rem3A_855, %dma_start3A_858, %dma_start3A_859] : memref<2x400x32xf32, #tpu.memory_space<vmem>> -> memref<1x400x32xf32, #tpu.memory_space<vmem>>
          %dma_start3A_861 = tpu.memref_squeeze %dma_start3A_860 : memref<1x400x32xf32, #tpu.memory_space<vmem>> -> memref<400x32xf32, #tpu.memory_space<vmem>>
          %dma_start3A_862 = arith.constant 0 : i32
          %dma_start3A_863 = tpu.memref_slice %arg4[%mul3A_857, %dma_start3A_862] : memref<3276800x128xf32, #tpu.memory_space<hbm>> -> memref<400x32xf32, #tpu.memory_space<hbm>>
          %dma_start3A_864 = tpu.memref_slice %run_scoped3A_15[%rem3A_855] : memref<2x!tpu.dma_semaphore, #tpu.memory_space<semaphore_mem>> -> memref<1x!tpu.dma_semaphore, #tpu.memory_space<semaphore_mem>>
          %dma_start3A_865 = tpu.memref_squeeze %dma_start3A_864 : memref<1x!tpu.dma_semaphore, #tpu.memory_space<semaphore_mem>> -> memref<!tpu.dma_semaphore, #tpu.memory_space<semaphore_mem>>
          %dma_start3A_866 = arith.constant 0 : i32
          %dma_start3A_867 = tpu.memref_slice %arg4[%mul3A_857, %dma_start3A_866] : memref<3276800x128xf32, #tpu.memory_space<hbm>> -> memref<400x32xf32, #tpu.memory_space<hbm>>
          %dma_start3A_868 = arith.constant 0 : i32
          %dma_start3A_869 = arith.constant 0 : i32
          %dma_start3A_870 = tpu.memref_slice %run_scoped3A_14[%rem3A_855, %dma_start3A_868, %dma_start3A_869] : memref<2x400x32xf32, #tpu.memory_space<vmem>> -> memref<1x400x32xf32, #tpu.memory_space<vmem>>
          %dma_start3A_871 = tpu.memref_squeeze %dma_start3A_870 : memref<1x400x32xf32, #tpu.memory_space<vmem>> -> memref<400x32xf32, #tpu.memory_space<vmem>>
          tpu.enqueue_dma source(%dma_start3A_871 : memref<400x32xf32, #tpu.memory_space<vmem>>) target(%dma_start3A_867 : memref<400x32xf32, #tpu.memory_space<hbm>>) target_semaphore(%dma_start3A_865 : memref<!tpu.dma_semaphore, #tpu.memory_space<semaphore_mem>>)
          "tpu.trace_stop"() : () -> ()
        } else {
        }
        %and3A_663 = arith.constant true
        %and3A_664 = arith.andi %or3A_659, %and3A_663 : i1
        %add3A_665 = arith.constant 1 : i32
        %add3A_666 = arith.addi %scan3A_280, %add3A_665 : i32
        %select_n3A_667 = arith.select %and3A_664, %add3A_666, %scan3A_280 : i32
        %ne3A_668 = arith.cmpi ne, %add3A_293, %add3A_311 : i32
        %or3A_669 = arith.constant false
        %or3A_670 = arith.ori %or3A_669, %ne3A_668 : i1
        %or3A_671 = arith.constant false
        %or3A_672 = arith.ori %or3A_670, %or3A_671 : i1
        %or3A_673 = arith.ori %or3A_672, %eq3A_292 : i1
        %convert_element_type3A_674 = arith.extui %or3A_673 : i1 to i32
        %cond3A_675 = arith.constant 0 : i32
        %cond3A_676 = arith.cmpi ne, %convert_element_type3A_674, %cond3A_675 : i32
        scf.if %cond3A_676 {
          "tpu.trace_start"() <{level = 10 : i32, message = "ep_copy_out"}> : () -> ()
          %rem3A_854 = arith.constant 2 : i32
          %rem3A_855 = arith.remui %scan3A_282, %rem3A_854 : i32
          %mul3A_856 = arith.constant 400 : i32
          %mul3A_857 = arith.muli %mul3A_856, %add3A_293 : i32
          %dma_start3A_858 = arith.constant 0 : i32
          %dma_start3A_859 = arith.constant 0 : i32
          %dma_start3A_860 = tpu.memref_slice %run_scoped3A_16[%rem3A_855, %dma_start3A_858, %dma_start3A_859] : memref<2x400x32xf32, #tpu.memory_space<vmem>> -> memref<1x400x32xf32, #tpu.memory_space<vmem>>
          %dma_start3A_861 = tpu.memref_squeeze %dma_start3A_860 : memref<1x400x32xf32, #tpu.memory_space<vmem>> -> memref<400x32xf32, #tpu.memory_space<vmem>>
          %dma_start3A_862 = arith.constant 32 : i32
          %dma_start3A_863 = tpu.memref_slice %arg4[%mul3A_857, %dma_start3A_862] : memref<3276800x128xf32, #tpu.memory_space<hbm>> -> memref<400x32xf32, #tpu.memory_space<hbm>>
          %dma_start3A_864 = tpu.memref_slice %run_scoped3A_17[%rem3A_855] : memref<2x!tpu.dma_semaphore, #tpu.memory_space<semaphore_mem>> -> memref<1x!tpu.dma_semaphore, #tpu.memory_space<semaphore_mem>>
          %dma_start3A_865 = tpu.memref_squeeze %dma_start3A_864 : memref<1x!tpu.dma_semaphore, #tpu.memory_space<semaphore_mem>> -> memref<!tpu.dma_semaphore, #tpu.memory_space<semaphore_mem>>
          %dma_start3A_866 = arith.constant 32 : i32
          %dma_start3A_867 = tpu.memref_slice %arg4[%mul3A_857, %dma_start3A_866] : memref<3276800x128xf32, #tpu.memory_space<hbm>> -> memref<400x32xf32, #tpu.memory_space<hbm>>
          %dma_start3A_868 = arith.constant 0 : i32
          %dma_start3A_869 = arith.constant 0 : i32
          %dma_start3A_870 = tpu.memref_slice %run_scoped3A_16[%rem3A_855, %dma_start3A_868, %dma_start3A_869] : memref<2x400x32xf32, #tpu.memory_space<vmem>> -> memref<1x400x32xf32, #tpu.memory_space<vmem>>
          %dma_start3A_871 = tpu.memref_squeeze %dma_start3A_870 : memref<1x400x32xf32, #tpu.memory_space<vmem>> -> memref<400x32xf32, #tpu.memory_space<vmem>>
          tpu.enqueue_dma source(%dma_start3A_871 : memref<400x32xf32, #tpu.memory_space<vmem>>) target(%dma_start3A_867 : memref<400x32xf32, #tpu.memory_space<hbm>>) target_semaphore(%dma_start3A_865 : memref<!tpu.dma_semaphore, #tpu.memory_space<semaphore_mem>>)
          "tpu.trace_stop"() : () -> ()
        } else {
        }
        %and3A_677 = arith.constant true
        %and3A_678 = arith.andi %or3A_673, %and3A_677 : i1
        %add3A_679 = arith.constant 1 : i32
        %add3A_680 = arith.addi %scan3A_282, %add3A_679 : i32
        %select_n3A_681 = arith.select %and3A_678, %add3A_680, %scan3A_282 : i32
        %ne3A_682 = arith.cmpi ne, %add3A_293, %add3A_311 : i32
        %or3A_683 = arith.constant false
        %or3A_684 = arith.ori %or3A_683, %ne3A_682 : i1
        %or3A_685 = arith.constant false
        %or3A_686 = arith.ori %or3A_684, %or3A_685 : i1
        %or3A_687 = arith.ori %or3A_686, %eq3A_292 : i1
        %convert_element_type3A_688 = arith.extui %or3A_687 : i1 to i32
        %cond3A_689 = arith.constant 0 : i32
        %cond3A_690 = arith.cmpi ne, %convert_element_type3A_688, %cond3A_689 : i32
        scf.if %cond3A_690 {
          "tpu.trace_start"() <{level = 10 : i32, message = "ep_copy_out"}> : () -> ()
          %rem3A_854 = arith.constant 2 : i32
          %rem3A_855 = arith.remui %scan3A_284, %rem3A_854 : i32
          %mul3A_856 = arith.constant 400 : i32
          %mul3A_857 = arith.muli %mul3A_856, %add3A_293 : i32
          %dma_start3A_858 = arith.constant 0 : i32
          %dma_start3A_859 = arith.constant 0 : i32
          %dma_start3A_860 = tpu.memref_slice %run_scoped3A_18[%rem3A_855, %dma_start3A_858, %dma_start3A_859] : memref<2x400x32xf32, #tpu.memory_space<vmem>> -> memref<1x400x32xf32, #tpu.memory_space<vmem>>
          %dma_start3A_861 = tpu.memref_squeeze %dma_start3A_860 : memref<1x400x32xf32, #tpu.memory_space<vmem>> -> memref<400x32xf32, #tpu.memory_space<vmem>>
          %dma_start3A_862 = arith.constant 64 : i32
          %dma_start3A_863 = tpu.memref_slice %arg4[%mul3A_857, %dma_start3A_862] : memref<3276800x128xf32, #tpu.memory_space<hbm>> -> memref<400x32xf32, #tpu.memory_space<hbm>>
          %dma_start3A_864 = tpu.memref_slice %run_scoped3A_19[%rem3A_855] : memref<2x!tpu.dma_semaphore, #tpu.memory_space<semaphore_mem>> -> memref<1x!tpu.dma_semaphore, #tpu.memory_space<semaphore_mem>>
          %dma_start3A_865 = tpu.memref_squeeze %dma_start3A_864 : memref<1x!tpu.dma_semaphore, #tpu.memory_space<semaphore_mem>> -> memref<!tpu.dma_semaphore, #tpu.memory_space<semaphore_mem>>
          %dma_start3A_866 = arith.constant 64 : i32
          %dma_start3A_867 = tpu.memref_slice %arg4[%mul3A_857, %dma_start3A_866] : memref<3276800x128xf32, #tpu.memory_space<hbm>> -> memref<400x32xf32, #tpu.memory_space<hbm>>
          %dma_start3A_868 = arith.constant 0 : i32
          %dma_start3A_869 = arith.constant 0 : i32
          %dma_start3A_870 = tpu.memref_slice %run_scoped3A_18[%rem3A_855, %dma_start3A_868, %dma_start3A_869] : memref<2x400x32xf32, #tpu.memory_space<vmem>> -> memref<1x400x32xf32, #tpu.memory_space<vmem>>
          %dma_start3A_871 = tpu.memref_squeeze %dma_start3A_870 : memref<1x400x32xf32, #tpu.memory_space<vmem>> -> memref<400x32xf32, #tpu.memory_space<vmem>>
          tpu.enqueue_dma source(%dma_start3A_871 : memref<400x32xf32, #tpu.memory_space<vmem>>) target(%dma_start3A_867 : memref<400x32xf32, #tpu.memory_space<hbm>>) target_semaphore(%dma_start3A_865 : memref<!tpu.dma_semaphore, #tpu.memory_space<semaphore_mem>>)
          "tpu.trace_stop"() : () -> ()
        } else {
        }
        %and3A_691 = arith.constant true
        %and3A_692 = arith.andi %or3A_687, %and3A_691 : i1
        %add3A_693 = arith.constant 1 : i32
        %add3A_694 = arith.addi %scan3A_284, %add3A_693 : i32
        %select_n3A_695 = arith.select %and3A_692, %add3A_694, %scan3A_284 : i32
        %ne3A_696 = arith.cmpi ne, %add3A_293, %add3A_311 : i32
        %or3A_697 = arith.constant false
        %or3A_698 = arith.ori %or3A_697, %ne3A_696 : i1
        %or3A_699 = arith.constant false
        %or3A_700 = arith.ori %or3A_698, %or3A_699 : i1
        %or3A_701 = arith.ori %or3A_700, %eq3A_292 : i1
        %convert_element_type3A_702 = arith.extui %or3A_701 : i1 to i32
        %cond3A_703 = arith.constant 0 : i32
        %cond3A_704 = arith.cmpi ne, %convert_element_type3A_702, %cond3A_703 : i32
        scf.if %cond3A_704 {
          "tpu.trace_start"() <{level = 10 : i32, message = "ep_copy_out"}> : () -> ()
          %rem3A_854 = arith.constant 2 : i32
          %rem3A_855 = arith.remui %scan3A_286, %rem3A_854 : i32
          %mul3A_856 = arith.constant 400 : i32
          %mul3A_857 = arith.muli %mul3A_856, %add3A_293 : i32
          %dma_start3A_858 = arith.constant 0 : i32
          %dma_start3A_859 = arith.constant 0 : i32
          %dma_start3A_860 = tpu.memref_slice %run_scoped3A_20[%rem3A_855, %dma_start3A_858, %dma_start3A_859] : memref<2x400x32xf32, #tpu.memory_space<vmem>> -> memref<1x400x32xf32, #tpu.memory_space<vmem>>
          %dma_start3A_861 = tpu.memref_squeeze %dma_start3A_860 : memref<1x400x32xf32, #tpu.memory_space<vmem>> -> memref<400x32xf32, #tpu.memory_space<vmem>>
          %dma_start3A_862 = arith.constant 96 : i32
          %dma_start3A_863 = tpu.memref_slice %arg4[%mul3A_857, %dma_start3A_862] : memref<3276800x128xf32, #tpu.memory_space<hbm>> -> memref<400x32xf32, #tpu.memory_space<hbm>>
          %dma_start3A_864 = tpu.memref_slice %run_scoped3A_21[%rem3A_855] : memref<2x!tpu.dma_semaphore, #tpu.memory_space<semaphore_mem>> -> memref<1x!tpu.dma_semaphore, #tpu.memory_space<semaphore_mem>>
          %dma_start3A_865 = tpu.memref_squeeze %dma_start3A_864 : memref<1x!tpu.dma_semaphore, #tpu.memory_space<semaphore_mem>> -> memref<!tpu.dma_semaphore, #tpu.memory_space<semaphore_mem>>
          %dma_start3A_866 = arith.constant 96 : i32
          %dma_start3A_867 = tpu.memref_slice %arg4[%mul3A_857, %dma_start3A_866] : memref<3276800x128xf32, #tpu.memory_space<hbm>> -> memref<400x32xf32, #tpu.memory_space<hbm>>
          %dma_start3A_868 = arith.constant 0 : i32
          %dma_start3A_869 = arith.constant 0 : i32
          %dma_start3A_870 = tpu.memref_slice %run_scoped3A_20[%rem3A_855, %dma_start3A_868, %dma_start3A_869] : memref<2x400x32xf32, #tpu.memory_space<vmem>> -> memref<1x400x32xf32, #tpu.memory_space<vmem>>
          %dma_start3A_871 = tpu.memref_squeeze %dma_start3A_870 : memref<1x400x32xf32, #tpu.memory_space<vmem>> -> memref<400x32xf32, #tpu.memory_space<vmem>>
          tpu.enqueue_dma source(%dma_start3A_871 : memref<400x32xf32, #tpu.memory_space<vmem>>) target(%dma_start3A_867 : memref<400x32xf32, #tpu.memory_space<hbm>>) target_semaphore(%dma_start3A_865 : memref<!tpu.dma_semaphore, #tpu.memory_space<semaphore_mem>>)
          "tpu.trace_stop"() : () -> ()
        } else {
        }
        %and3A_705 = arith.constant true
        %and3A_706 = arith.andi %or3A_701, %and3A_705 : i1
        %add3A_707 = arith.constant 1 : i32
        %add3A_708 = arith.addi %scan3A_286, %add3A_707 : i32
        %select_n3A_709 = arith.select %and3A_706, %add3A_708, %scan3A_286 : i32
        %ne3A_710 = arith.cmpi ne, %add3A_293, %add3A_302 : i32
        %or3A_711 = arith.constant false
        %or3A_712 = arith.ori %or3A_711, %ne3A_710 : i1
        %not3A_713 = arith.constant true
        %not3A_714 = arith.xori %eq3A_290, %not3A_713 : i1
        %and3A_715 = arith.andi %or3A_712, %not3A_714 : i1
        %convert_element_type3A_716 = arith.extui %and3A_715 : i1 to i32
        %cond3A_717 = arith.constant 0 : i32
        %cond3A_718 = arith.cmpi ne, %convert_element_type3A_716, %cond3A_717 : i32
        scf.if %cond3A_718 {
        } else {
        }
        %and3A_719 = arith.constant false
        %and3A_720 = arith.andi %and3A_715, %and3A_719 : i1
        %ne3A_721 = arith.cmpi ne, %add3A_293, %add3A_302 : i32
        %or3A_722 = arith.constant false
        %or3A_723 = arith.ori %or3A_722, %ne3A_721 : i1
        %not3A_724 = arith.constant true
        %not3A_725 = arith.xori %eq3A_290, %not3A_724 : i1
        %and3A_726 = arith.andi %or3A_723, %not3A_725 : i1
        %convert_element_type3A_727 = arith.extui %and3A_726 : i1 to i32
        %cond3A_728 = arith.constant 0 : i32
        %cond3A_729 = arith.cmpi ne, %convert_element_type3A_727, %cond3A_728 : i32
        scf.if %cond3A_729 {
        } else {
        }
        %and3A_730 = arith.constant false
        %and3A_731 = arith.andi %and3A_726, %and3A_730 : i1
        %ne3A_732 = arith.cmpi ne, %add3A_293, %add3A_302 : i32
        %or3A_733 = arith.constant false
        %or3A_734 = arith.ori %or3A_733, %ne3A_732 : i1
        %not3A_735 = arith.constant true
        %not3A_736 = arith.xori %eq3A_290, %not3A_735 : i1
        %and3A_737 = arith.andi %or3A_734, %not3A_736 : i1
        %convert_element_type3A_738 = arith.extui %and3A_737 : i1 to i32
        %cond3A_739 = arith.constant 0 : i32
        %cond3A_740 = arith.cmpi ne, %convert_element_type3A_738, %cond3A_739 : i32
        scf.if %cond3A_740 {
        } else {
        }
        %and3A_741 = arith.constant false
        %and3A_742 = arith.andi %and3A_737, %and3A_741 : i1
        %ne3A_743 = arith.cmpi ne, %add3A_293, %add3A_302 : i32
        %or3A_744 = arith.constant false
        %or3A_745 = arith.ori %or3A_744, %ne3A_743 : i1
        %not3A_746 = arith.constant true
        %not3A_747 = arith.xori %eq3A_290, %not3A_746 : i1
        %and3A_748 = arith.andi %or3A_745, %not3A_747 : i1
        %convert_element_type3A_749 = arith.extui %and3A_748 : i1 to i32
        %cond3A_750 = arith.constant 0 : i32
        %cond3A_751 = arith.cmpi ne, %convert_element_type3A_749, %cond3A_750 : i32
        scf.if %cond3A_751 {
        } else {
        }
        %and3A_752 = arith.constant false
        %and3A_753 = arith.andi %and3A_748, %and3A_752 : i1
        %ne3A_754 = arith.cmpi ne, %add3A_293, %add3A_302 : i32
        %or3A_755 = arith.constant false
        %or3A_756 = arith.ori %or3A_755, %ne3A_754 : i1
        %or3A_757 = arith.constant false
        %or3A_758 = arith.ori %or3A_756, %or3A_757 : i1
        %not3A_759 = arith.constant true
        %not3A_760 = arith.xori %eq3A_290, %not3A_759 : i1
        %and3A_761 = arith.andi %or3A_758, %not3A_760 : i1
        %convert_element_type3A_762 = arith.extui %and3A_761 : i1 to i32
        %cond3A_763 = arith.constant 0 : i32
        %cond3A_764 = arith.cmpi ne, %convert_element_type3A_762, %cond3A_763 : i32
        scf.if %cond3A_764 {
          "tpu.trace_start"() <{level = 10 : i32, message = "ep_wait_out"}> : () -> ()
          %rem3A_854 = arith.constant 2 : i32
          %rem3A_855 = arith.remui %scan3A_281, %rem3A_854 : i32
          %mul3A_856 = arith.constant 400 : i32
          %mul3A_857 = arith.muli %mul3A_856, %add3A_302 : i32
          %dma_wait3A_858 = arith.constant 0 : i32
          %dma_wait3A_859 = arith.constant 0 : i32
          %dma_wait3A_860 = tpu.memref_slice %run_scoped3A_14[%rem3A_855, %dma_wait3A_858, %dma_wait3A_859] : memref<2x400x32xf32, #tpu.memory_space<vmem>> -> memref<1x400x32xf32, #tpu.memory_space<vmem>>
          %dma_wait3A_861 = tpu.memref_squeeze %dma_wait3A_860 : memref<1x400x32xf32, #tpu.memory_space<vmem>> -> memref<400x32xf32, #tpu.memory_space<vmem>>
          %dma_wait3A_862 = arith.constant 0 : i32
          %dma_wait3A_863 = tpu.memref_slice %arg4[%mul3A_857, %dma_wait3A_862] : memref<3276800x128xf32, #tpu.memory_space<hbm>> -> memref<400x32xf32, #tpu.memory_space<hbm>>
          %dma_wait3A_864 = tpu.memref_slice %run_scoped3A_15[%rem3A_855] : memref<2x!tpu.dma_semaphore, #tpu.memory_space<semaphore_mem>> -> memref<1x!tpu.dma_semaphore, #tpu.memory_space<semaphore_mem>>
          %dma_wait3A_865 = tpu.memref_squeeze %dma_wait3A_864 : memref<1x!tpu.dma_semaphore, #tpu.memory_space<semaphore_mem>> -> memref<!tpu.dma_semaphore, #tpu.memory_space<semaphore_mem>>
          %dma_wait3A_866 = arith.constant 0 : i32
          %dma_wait3A_867 = tpu.memref_slice %arg4[%mul3A_857, %dma_wait3A_866] : memref<3276800x128xf32, #tpu.memory_space<hbm>> -> memref<400x32xf32, #tpu.memory_space<hbm>>
          %dma_wait3A_868 = arith.constant 0 : i32
          %dma_wait3A_869 = arith.constant 0 : i32
          %dma_wait3A_870 = tpu.memref_slice %run_scoped3A_14[%rem3A_855, %dma_wait3A_868, %dma_wait3A_869] : memref<2x400x32xf32, #tpu.memory_space<vmem>> -> memref<1x400x32xf32, #tpu.memory_space<vmem>>
          %dma_wait3A_871 = tpu.memref_squeeze %dma_wait3A_870 : memref<1x400x32xf32, #tpu.memory_space<vmem>> -> memref<400x32xf32, #tpu.memory_space<vmem>>
          tpu.wait_dma2 semaphore(%dma_wait3A_865 : memref<!tpu.dma_semaphore, #tpu.memory_space<semaphore_mem>>) src(%dma_wait3A_871 : memref<400x32xf32, #tpu.memory_space<vmem>>) dst(%dma_wait3A_867 : memref<400x32xf32, #tpu.memory_space<hbm>>)
          "tpu.trace_stop"() : () -> ()
        } else {
        }
        %and3A_765 = arith.constant true
        %and3A_766 = arith.andi %and3A_761, %and3A_765 : i1
        %add3A_767 = arith.constant 1 : i32
        %add3A_768 = arith.addi %scan3A_281, %add3A_767 : i32
        %select_n3A_769 = arith.select %and3A_766, %add3A_768, %scan3A_281 : i32
        %ne3A_770 = arith.cmpi ne, %add3A_293, %add3A_302 : i32
        %or3A_771 = arith.constant false
        %or3A_772 = arith.ori %or3A_771, %ne3A_770 : i1
        %or3A_773 = arith.constant false
        %or3A_774 = arith.ori %or3A_772, %or3A_773 : i1
        %not3A_775 = arith.constant true
        %not3A_776 = arith.xori %eq3A_290, %not3A_775 : i1
        %and3A_777 = arith.andi %or3A_774, %not3A_776 : i1
        %convert_element_type3A_778 = arith.extui %and3A_777 : i1 to i32
        %cond3A_779 = arith.constant 0 : i32
        %cond3A_780 = arith.cmpi ne, %convert_element_type3A_778, %cond3A_779 : i32
        scf.if %cond3A_780 {
          "tpu.trace_start"() <{level = 10 : i32, message = "ep_wait_out"}> : () -> ()
          %rem3A_854 = arith.constant 2 : i32
          %rem3A_855 = arith.remui %scan3A_283, %rem3A_854 : i32
          %mul3A_856 = arith.constant 400 : i32
          %mul3A_857 = arith.muli %mul3A_856, %add3A_302 : i32
          %dma_wait3A_858 = arith.constant 0 : i32
          %dma_wait3A_859 = arith.constant 0 : i32
          %dma_wait3A_860 = tpu.memref_slice %run_scoped3A_16[%rem3A_855, %dma_wait3A_858, %dma_wait3A_859] : memref<2x400x32xf32, #tpu.memory_space<vmem>> -> memref<1x400x32xf32, #tpu.memory_space<vmem>>
          %dma_wait3A_861 = tpu.memref_squeeze %dma_wait3A_860 : memref<1x400x32xf32, #tpu.memory_space<vmem>> -> memref<400x32xf32, #tpu.memory_space<vmem>>
          %dma_wait3A_862 = arith.constant 32 : i32
          %dma_wait3A_863 = tpu.memref_slice %arg4[%mul3A_857, %dma_wait3A_862] : memref<3276800x128xf32, #tpu.memory_space<hbm>> -> memref<400x32xf32, #tpu.memory_space<hbm>>
          %dma_wait3A_864 = tpu.memref_slice %run_scoped3A_17[%rem3A_855] : memref<2x!tpu.dma_semaphore, #tpu.memory_space<semaphore_mem>> -> memref<1x!tpu.dma_semaphore, #tpu.memory_space<semaphore_mem>>
          %dma_wait3A_865 = tpu.memref_squeeze %dma_wait3A_864 : memref<1x!tpu.dma_semaphore, #tpu.memory_space<semaphore_mem>> -> memref<!tpu.dma_semaphore, #tpu.memory_space<semaphore_mem>>
          %dma_wait3A_866 = arith.constant 32 : i32
          %dma_wait3A_867 = tpu.memref_slice %arg4[%mul3A_857, %dma_wait3A_866] : memref<3276800x128xf32, #tpu.memory_space<hbm>> -> memref<400x32xf32, #tpu.memory_space<hbm>>
          %dma_wait3A_868 = arith.constant 0 : i32
          %dma_wait3A_869 = arith.constant 0 : i32
          %dma_wait3A_870 = tpu.memref_slice %run_scoped3A_16[%rem3A_855, %dma_wait3A_868, %dma_wait3A_869] : memref<2x400x32xf32, #tpu.memory_space<vmem>> -> memref<1x400x32xf32, #tpu.memory_space<vmem>>
          %dma_wait3A_871 = tpu.memref_squeeze %dma_wait3A_870 : memref<1x400x32xf32, #tpu.memory_space<vmem>> -> memref<400x32xf32, #tpu.memory_space<vmem>>
          tpu.wait_dma2 semaphore(%dma_wait3A_865 : memref<!tpu.dma_semaphore, #tpu.memory_space<semaphore_mem>>) src(%dma_wait3A_871 : memref<400x32xf32, #tpu.memory_space<vmem>>) dst(%dma_wait3A_867 : memref<400x32xf32, #tpu.memory_space<hbm>>)
          "tpu.trace_stop"() : () -> ()
        } else {
        }
        %and3A_781 = arith.constant true
        %and3A_782 = arith.andi %and3A_777, %and3A_781 : i1
        %add3A_783 = arith.constant 1 : i32
        %add3A_784 = arith.addi %scan3A_283, %add3A_783 : i32
        %select_n3A_785 = arith.select %and3A_782, %add3A_784, %scan3A_283 : i32
        %ne3A_786 = arith.cmpi ne, %add3A_293, %add3A_302 : i32
        %or3A_787 = arith.constant false
        %or3A_788 = arith.ori %or3A_787, %ne3A_786 : i1
        %or3A_789 = arith.constant false
        %or3A_790 = arith.ori %or3A_788, %or3A_789 : i1
        %not3A_791 = arith.constant true
        %not3A_792 = arith.xori %eq3A_290, %not3A_791 : i1
        %and3A_793 = arith.andi %or3A_790, %not3A_792 : i1
        %convert_element_type3A_794 = arith.extui %and3A_793 : i1 to i32
        %cond3A_795 = arith.constant 0 : i32
        %cond3A_796 = arith.cmpi ne, %convert_element_type3A_794, %cond3A_795 : i32
        scf.if %cond3A_796 {
          "tpu.trace_start"() <{level = 10 : i32, message = "ep_wait_out"}> : () -> ()
          %rem3A_854 = arith.constant 2 : i32
          %rem3A_855 = arith.remui %scan3A_285, %rem3A_854 : i32
          %mul3A_856 = arith.constant 400 : i32
          %mul3A_857 = arith.muli %mul3A_856, %add3A_302 : i32
          %dma_wait3A_858 = arith.constant 0 : i32
          %dma_wait3A_859 = arith.constant 0 : i32
          %dma_wait3A_860 = tpu.memref_slice %run_scoped3A_18[%rem3A_855, %dma_wait3A_858, %dma_wait3A_859] : memref<2x400x32xf32, #tpu.memory_space<vmem>> -> memref<1x400x32xf32, #tpu.memory_space<vmem>>
          %dma_wait3A_861 = tpu.memref_squeeze %dma_wait3A_860 : memref<1x400x32xf32, #tpu.memory_space<vmem>> -> memref<400x32xf32, #tpu.memory_space<vmem>>
          %dma_wait3A_862 = arith.constant 64 : i32
          %dma_wait3A_863 = tpu.memref_slice %arg4[%mul3A_857, %dma_wait3A_862] : memref<3276800x128xf32, #tpu.memory_space<hbm>> -> memref<400x32xf32, #tpu.memory_space<hbm>>
          %dma_wait3A_864 = tpu.memref_slice %run_scoped3A_19[%rem3A_855] : memref<2x!tpu.dma_semaphore, #tpu.memory_space<semaphore_mem>> -> memref<1x!tpu.dma_semaphore, #tpu.memory_space<semaphore_mem>>
          %dma_wait3A_865 = tpu.memref_squeeze %dma_wait3A_864 : memref<1x!tpu.dma_semaphore, #tpu.memory_space<semaphore_mem>> -> memref<!tpu.dma_semaphore, #tpu.memory_space<semaphore_mem>>
          %dma_wait3A_866 = arith.constant 64 : i32
          %dma_wait3A_867 = tpu.memref_slice %arg4[%mul3A_857, %dma_wait3A_866] : memref<3276800x128xf32, #tpu.memory_space<hbm>> -> memref<400x32xf32, #tpu.memory_space<hbm>>
          %dma_wait3A_868 = arith.constant 0 : i32
          %dma_wait3A_869 = arith.constant 0 : i32
          %dma_wait3A_870 = tpu.memref_slice %run_scoped3A_18[%rem3A_855, %dma_wait3A_868, %dma_wait3A_869] : memref<2x400x32xf32, #tpu.memory_space<vmem>> -> memref<1x400x32xf32, #tpu.memory_space<vmem>>
          %dma_wait3A_871 = tpu.memref_squeeze %dma_wait3A_870 : memref<1x400x32xf32, #tpu.memory_space<vmem>> -> memref<400x32xf32, #tpu.memory_space<vmem>>
          tpu.wait_dma2 semaphore(%dma_wait3A_865 : memref<!tpu.dma_semaphore, #tpu.memory_space<semaphore_mem>>) src(%dma_wait3A_871 : memref<400x32xf32, #tpu.memory_space<vmem>>) dst(%dma_wait3A_867 : memref<400x32xf32, #tpu.memory_space<hbm>>)
          "tpu.trace_stop"() : () -> ()
        } else {
        }
        %and3A_797 = arith.constant true
        %and3A_798 = arith.andi %and3A_793, %and3A_797 : i1
        %add3A_799 = arith.constant 1 : i32
        %add3A_800 = arith.addi %scan3A_285, %add3A_799 : i32
        %select_n3A_801 = arith.select %and3A_798, %add3A_800, %scan3A_285 : i32
        %ne3A_802 = arith.cmpi ne, %add3A_293, %add3A_302 : i32
        %or3A_803 = arith.constant false
        %or3A_804 = arith.ori %or3A_803, %ne3A_802 : i1
        %or3A_805 = arith.constant false
        %or3A_806 = arith.ori %or3A_804, %or3A_805 : i1
        %not3A_807 = arith.constant true
        %not3A_808 = arith.xori %eq3A_290, %not3A_807 : i1
        %and3A_809 = arith.andi %or3A_806, %not3A_808 : i1
        %convert_element_type3A_810 = arith.extui %and3A_809 : i1 to i32
        %cond3A_811 = arith.constant 0 : i32
        %cond3A_812 = arith.cmpi ne, %convert_element_type3A_810, %cond3A_811 : i32
        scf.if %cond3A_812 {
          "tpu.trace_start"() <{level = 10 : i32, message = "ep_wait_out"}> : () -> ()
          %rem3A_854 = arith.constant 2 : i32
          %rem3A_855 = arith.remui %scan3A_287, %rem3A_854 : i32
          %mul3A_856 = arith.constant 400 : i32
          %mul3A_857 = arith.muli %mul3A_856, %add3A_302 : i32
          %dma_wait3A_858 = arith.constant 0 : i32
          %dma_wait3A_859 = arith.constant 0 : i32
          %dma_wait3A_860 = tpu.memref_slice %run_scoped3A_20[%rem3A_855, %dma_wait3A_858, %dma_wait3A_859] : memref<2x400x32xf32, #tpu.memory_space<vmem>> -> memref<1x400x32xf32, #tpu.memory_space<vmem>>
          %dma_wait3A_861 = tpu.memref_squeeze %dma_wait3A_860 : memref<1x400x32xf32, #tpu.memory_space<vmem>> -> memref<400x32xf32, #tpu.memory_space<vmem>>
          %dma_wait3A_862 = arith.constant 96 : i32
          %dma_wait3A_863 = tpu.memref_slice %arg4[%mul3A_857, %dma_wait3A_862] : memref<3276800x128xf32, #tpu.memory_space<hbm>> -> memref<400x32xf32, #tpu.memory_space<hbm>>
          %dma_wait3A_864 = tpu.memref_slice %run_scoped3A_21[%rem3A_855] : memref<2x!tpu.dma_semaphore, #tpu.memory_space<semaphore_mem>> -> memref<1x!tpu.dma_semaphore, #tpu.memory_space<semaphore_mem>>
          %dma_wait3A_865 = tpu.memref_squeeze %dma_wait3A_864 : memref<1x!tpu.dma_semaphore, #tpu.memory_space<semaphore_mem>> -> memref<!tpu.dma_semaphore, #tpu.memory_space<semaphore_mem>>
          %dma_wait3A_866 = arith.constant 96 : i32
          %dma_wait3A_867 = tpu.memref_slice %arg4[%mul3A_857, %dma_wait3A_866] : memref<3276800x128xf32, #tpu.memory_space<hbm>> -> memref<400x32xf32, #tpu.memory_space<hbm>>
          %dma_wait3A_868 = arith.constant 0 : i32
          %dma_wait3A_869 = arith.constant 0 : i32
          %dma_wait3A_870 = tpu.memref_slice %run_scoped3A_20[%rem3A_855, %dma_wait3A_868, %dma_wait3A_869] : memref<2x400x32xf32, #tpu.memory_space<vmem>> -> memref<1x400x32xf32, #tpu.memory_space<vmem>>
          %dma_wait3A_871 = tpu.memref_squeeze %dma_wait3A_870 : memref<1x400x32xf32, #tpu.memory_space<vmem>> -> memref<400x32xf32, #tpu.memory_space<vmem>>
          tpu.wait_dma2 semaphore(%dma_wait3A_865 : memref<!tpu.dma_semaphore, #tpu.memory_space<semaphore_mem>>) src(%dma_wait3A_871 : memref<400x32xf32, #tpu.memory_space<vmem>>) dst(%dma_wait3A_867 : memref<400x32xf32, #tpu.memory_space<hbm>>)
          "tpu.trace_stop"() : () -> ()
        } else {
        }
        %and3A_813 = arith.constant true
        %and3A_814 = arith.andi %and3A_809, %and3A_813 : i1
        %add3A_815 = arith.constant 1 : i32
        %add3A_816 = arith.addi %scan3A_287, %add3A_815 : i32
        %select_n3A_817 = arith.select %and3A_814, %add3A_816, %scan3A_287 : i32
        %ne3A_818 = arith.cmpi ne, %add3A_293, %add3A_311 : i32
        %or3A_819 = arith.constant false
        %or3A_820 = arith.ori %or3A_819, %ne3A_818 : i1
        %or3A_821 = arith.ori %or3A_820, %eq3A_292 : i1
        %add3A_822 = arith.constant 1 : i32
        %add3A_823 = arith.addi %scan3A_273, %add3A_822 : i32
        %select_n3A_824 = arith.select %or3A_821, %add3A_823, %scan3A_273 : i32
        %ne3A_825 = arith.cmpi ne, %add3A_293, %add3A_311 : i32
        %or3A_826 = arith.constant false
        %or3A_827 = arith.ori %or3A_826, %ne3A_825 : i1
        %or3A_828 = arith.ori %or3A_827, %eq3A_292 : i1
        %add3A_829 = arith.constant 1 : i32
        %add3A_830 = arith.addi %scan3A_275, %add3A_829 : i32
        %select_n3A_831 = arith.select %or3A_828, %add3A_830, %scan3A_275 : i32
        %ne3A_832 = arith.cmpi ne, %add3A_293, %add3A_311 : i32
        %or3A_833 = arith.constant false
        %or3A_834 = arith.ori %or3A_833, %ne3A_832 : i1
        %or3A_835 = arith.ori %or3A_834, %eq3A_292 : i1
        %add3A_836 = arith.constant 1 : i32
        %add3A_837 = arith.addi %scan3A_277, %add3A_836 : i32
        %select_n3A_838 = arith.select %or3A_835, %add3A_837, %scan3A_277 : i32
        %ne3A_839 = arith.cmpi ne, %add3A_293, %add3A_311 : i32
        %or3A_840 = arith.constant false
        %or3A_841 = arith.ori %or3A_840, %ne3A_839 : i1
        %or3A_842 = arith.ori %or3A_841, %eq3A_292 : i1
        %add3A_843 = arith.constant 1 : i32
        %add3A_844 = arith.addi %scan3A_279, %add3A_843 : i32
        %select_n3A_845 = arith.select %or3A_842, %add3A_844, %scan3A_279 : i32
        %add3A_846 = arith.constant 1 : i32
        %add3A_847 = arith.addi %scan3A_288, %add3A_846 : i32
        %select_n3A_848 = arith.constant true
        %select_n3A_849 = arith.select %select_n3A_848, %add3A_847, %scan3A_288 : i32
        %eq3A_850 = arith.constant 256 : i32
        %eq3A_851 = arith.cmpi eq, %select_n3A_849, %eq3A_850 : i32
        %select_n3A_852 = arith.constant 0 : i32
        %select_n3A_853 = arith.select %eq3A_851, %select_n3A_852, %select_n3A_849 : i32
        scf.yield %select_n3A_329, %select_n3A_824, %select_n3A_345, %select_n3A_831, %select_n3A_361, %select_n3A_838, %select_n3A_377, %select_n3A_845, %select_n3A_667, %select_n3A_769, %select_n3A_681, %select_n3A_785, %select_n3A_695, %select_n3A_801, %select_n3A_709, %select_n3A_817, %select_n3A_853 : i32, i32, i32, i32, i32, i32, i32, i32, i32, i32, i32, i32, i32, i32, i32, i32, i32
      }
      %scan3A_164 = arith.constant 256 : i32
      %sub3A = arith.constant 1 : i32
      %sub3A_165 = arith.subi %scan3A_163#16, %sub3A : i32
      %select_n3A_166 = arith.constant true
      %select_n3A_167 = arith.select %select_n3A_166, %sub3A_165, %scan3A_163#16 : i32
      %eq3A_168 = arith.constant -1 : i32
      %eq3A_169 = arith.cmpi eq, %select_n3A_167, %eq3A_168 : i32
      %select_n3A_170 = arith.constant 255 : i32
      %select_n3A_171 = arith.select %eq3A_169, %select_n3A_170, %select_n3A_167 : i32
      %add3A_172 = arith.addi %select_n3A_171, %mul3A_6 : i32
      %sub3A_173 = arith.constant 1 : i32
      %sub3A_174 = arith.subi %select_n3A_171, %sub3A_173 : i32
      %select_n3A_175 = arith.constant true
      %select_n3A_176 = arith.select %select_n3A_175, %sub3A_174, %select_n3A_171 : i32
      %eq3A_177 = arith.constant -1 : i32
      %eq3A_178 = arith.cmpi eq, %select_n3A_176, %eq3A_177 : i32
      %select_n3A_179 = arith.constant 255 : i32
      %select_n3A_180 = arith.select %eq3A_178, %select_n3A_179, %select_n3A_176 : i32
      %add3A_181 = arith.addi %select_n3A_180, %mul3A_6 : i32
      %add3A_182 = arith.constant 1 : i32
      %add3A_183 = arith.addi %select_n3A_171, %add3A_182 : i32
      %select_n3A_184 = arith.constant true
      %select_n3A_185 = arith.select %select_n3A_184, %add3A_183, %select_n3A_171 : i32
      %eq3A_186 = arith.constant 256 : i32
      %eq3A_187 = arith.cmpi eq, %select_n3A_185, %eq3A_186 : i32
      %select_n3A_188 = arith.constant 0 : i32
      %select_n3A_189 = arith.select %eq3A_187, %select_n3A_188, %select_n3A_185 : i32
      %add3A_190 = arith.addi %select_n3A_189, %mul3A_6 : i32
      %add3A_191 = arith.constant 1 : i32
      %add3A_192 = arith.addi %select_n3A_189, %add3A_191 : i32
      %select_n3A_193 = arith.constant true
      %select_n3A_194 = arith.select %select_n3A_193, %add3A_192, %select_n3A_189 : i32
      %eq3A_195 = arith.constant 256 : i32
      %eq3A_196 = arith.cmpi eq, %select_n3A_194, %eq3A_195 : i32
      %select_n3A_197 = arith.constant 0 : i32
      %select_n3A_198 = arith.select %eq3A_196, %select_n3A_197, %select_n3A_194 : i32
      %add3A_199 = arith.addi %select_n3A_198, %mul3A_6 : i32
      "tpu.trace_start"() <{level = 10 : i32, message = "ep_finalize"}> : () -> ()
      %rem3A_200 = arith.constant 2 : i32
      %rem3A_201 = arith.remui %scan3A_163#9, %rem3A_200 : i32
      %mul3A_202 = arith.constant 400 : i32
      %mul3A_203 = arith.muli %mul3A_202, %add3A_172 : i32
      %dma_wait3A = arith.constant 0 : i32
      %dma_wait3A_204 = arith.constant 0 : i32
      %dma_wait3A_205 = tpu.memref_slice %run_scoped3A_14[%rem3A_201, %dma_wait3A, %dma_wait3A_204] : memref<2x400x32xf32, #tpu.memory_space<vmem>> -> memref<1x400x32xf32, #tpu.memory_space<vmem>>
      %dma_wait3A_206 = tpu.memref_squeeze %dma_wait3A_205 : memref<1x400x32xf32, #tpu.memory_space<vmem>> -> memref<400x32xf32, #tpu.memory_space<vmem>>
      %dma_wait3A_207 = arith.constant 0 : i32
      %dma_wait3A_208 = tpu.memref_slice %arg4[%mul3A_203, %dma_wait3A_207] : memref<3276800x128xf32, #tpu.memory_space<hbm>> -> memref<400x32xf32, #tpu.memory_space<hbm>>
      %dma_wait3A_209 = tpu.memref_slice %run_scoped3A_15[%rem3A_201] : memref<2x!tpu.dma_semaphore, #tpu.memory_space<semaphore_mem>> -> memref<1x!tpu.dma_semaphore, #tpu.memory_space<semaphore_mem>>
      %dma_wait3A_210 = tpu.memref_squeeze %dma_wait3A_209 : memref<1x!tpu.dma_semaphore, #tpu.memory_space<semaphore_mem>> -> memref<!tpu.dma_semaphore, #tpu.memory_space<semaphore_mem>>
      %dma_wait3A_211 = arith.constant 0 : i32
      %dma_wait3A_212 = tpu.memref_slice %arg4[%mul3A_203, %dma_wait3A_211] : memref<3276800x128xf32, #tpu.memory_space<hbm>> -> memref<400x32xf32, #tpu.memory_space<hbm>>
      %dma_wait3A_213 = arith.constant 0 : i32
      %dma_wait3A_214 = arith.constant 0 : i32
      %dma_wait3A_215 = tpu.memref_slice %run_scoped3A_14[%rem3A_201, %dma_wait3A_213, %dma_wait3A_214] : memref<2x400x32xf32, #tpu.memory_space<vmem>> -> memref<1x400x32xf32, #tpu.memory_space<vmem>>
      %dma_wait3A_216 = tpu.memref_squeeze %dma_wait3A_215 : memref<1x400x32xf32, #tpu.memory_space<vmem>> -> memref<400x32xf32, #tpu.memory_space<vmem>>
      tpu.wait_dma2 semaphore(%dma_wait3A_210 : memref<!tpu.dma_semaphore, #tpu.memory_space<semaphore_mem>>) src(%dma_wait3A_216 : memref<400x32xf32, #tpu.memory_space<vmem>>) dst(%dma_wait3A_212 : memref<400x32xf32, #tpu.memory_space<hbm>>)
      %rem3A_217 = arith.constant 2 : i32
      %rem3A_218 = arith.remui %scan3A_163#11, %rem3A_217 : i32
      %mul3A_219 = arith.constant 400 : i32
      %mul3A_220 = arith.muli %mul3A_219, %add3A_172 : i32
      %dma_wait3A_221 = arith.constant 0 : i32
      %dma_wait3A_222 = arith.constant 0 : i32
      %dma_wait3A_223 = tpu.memref_slice %run_scoped3A_16[%rem3A_218, %dma_wait3A_221, %dma_wait3A_222] : memref<2x400x32xf32, #tpu.memory_space<vmem>> -> memref<1x400x32xf32, #tpu.memory_space<vmem>>
      %dma_wait3A_224 = tpu.memref_squeeze %dma_wait3A_223 : memref<1x400x32xf32, #tpu.memory_space<vmem>> -> memref<400x32xf32, #tpu.memory_space<vmem>>
      %dma_wait3A_225 = arith.constant 32 : i32
      %dma_wait3A_226 = tpu.memref_slice %arg4[%mul3A_220, %dma_wait3A_225] : memref<3276800x128xf32, #tpu.memory_space<hbm>> -> memref<400x32xf32, #tpu.memory_space<hbm>>
      %dma_wait3A_227 = tpu.memref_slice %run_scoped3A_17[%rem3A_218] : memref<2x!tpu.dma_semaphore, #tpu.memory_space<semaphore_mem>> -> memref<1x!tpu.dma_semaphore, #tpu.memory_space<semaphore_mem>>
      %dma_wait3A_228 = tpu.memref_squeeze %dma_wait3A_227 : memref<1x!tpu.dma_semaphore, #tpu.memory_space<semaphore_mem>> -> memref<!tpu.dma_semaphore, #tpu.memory_space<semaphore_mem>>
      %dma_wait3A_229 = arith.constant 32 : i32
      %dma_wait3A_230 = tpu.memref_slice %arg4[%mul3A_220, %dma_wait3A_229] : memref<3276800x128xf32, #tpu.memory_space<hbm>> -> memref<400x32xf32, #tpu.memory_space<hbm>>
      %dma_wait3A_231 = arith.constant 0 : i32
      %dma_wait3A_232 = arith.constant 0 : i32
      %dma_wait3A_233 = tpu.memref_slice %run_scoped3A_16[%rem3A_218, %dma_wait3A_231, %dma_wait3A_232] : memref<2x400x32xf32, #tpu.memory_space<vmem>> -> memref<1x400x32xf32, #tpu.memory_space<vmem>>
      %dma_wait3A_234 = tpu.memref_squeeze %dma_wait3A_233 : memref<1x400x32xf32, #tpu.memory_space<vmem>> -> memref<400x32xf32, #tpu.memory_space<vmem>>
      tpu.wait_dma2 semaphore(%dma_wait3A_228 : memref<!tpu.dma_semaphore, #tpu.memory_space<semaphore_mem>>) src(%dma_wait3A_234 : memref<400x32xf32, #tpu.memory_space<vmem>>) dst(%dma_wait3A_230 : memref<400x32xf32, #tpu.memory_space<hbm>>)
      %rem3A_235 = arith.constant 2 : i32
      %rem3A_236 = arith.remui %scan3A_163#13, %rem3A_235 : i32
      %mul3A_237 = arith.constant 400 : i32
      %mul3A_238 = arith.muli %mul3A_237, %add3A_172 : i32
      %dma_wait3A_239 = arith.constant 0 : i32
      %dma_wait3A_240 = arith.constant 0 : i32
      %dma_wait3A_241 = tpu.memref_slice %run_scoped3A_18[%rem3A_236, %dma_wait3A_239, %dma_wait3A_240] : memref<2x400x32xf32, #tpu.memory_space<vmem>> -> memref<1x400x32xf32, #tpu.memory_space<vmem>>
      %dma_wait3A_242 = tpu.memref_squeeze %dma_wait3A_241 : memref<1x400x32xf32, #tpu.memory_space<vmem>> -> memref<400x32xf32, #tpu.memory_space<vmem>>
      %dma_wait3A_243 = arith.constant 64 : i32
      %dma_wait3A_244 = tpu.memref_slice %arg4[%mul3A_238, %dma_wait3A_243] : memref<3276800x128xf32, #tpu.memory_space<hbm>> -> memref<400x32xf32, #tpu.memory_space<hbm>>
      %dma_wait3A_245 = tpu.memref_slice %run_scoped3A_19[%rem3A_236] : memref<2x!tpu.dma_semaphore, #tpu.memory_space<semaphore_mem>> -> memref<1x!tpu.dma_semaphore, #tpu.memory_space<semaphore_mem>>
      %dma_wait3A_246 = tpu.memref_squeeze %dma_wait3A_245 : memref<1x!tpu.dma_semaphore, #tpu.memory_space<semaphore_mem>> -> memref<!tpu.dma_semaphore, #tpu.memory_space<semaphore_mem>>
      %dma_wait3A_247 = arith.constant 64 : i32
      %dma_wait3A_248 = tpu.memref_slice %arg4[%mul3A_238, %dma_wait3A_247] : memref<3276800x128xf32, #tpu.memory_space<hbm>> -> memref<400x32xf32, #tpu.memory_space<hbm>>
      %dma_wait3A_249 = arith.constant 0 : i32
      %dma_wait3A_250 = arith.constant 0 : i32
      %dma_wait3A_251 = tpu.memref_slice %run_scoped3A_18[%rem3A_236, %dma_wait3A_249, %dma_wait3A_250] : memref<2x400x32xf32, #tpu.memory_space<vmem>> -> memref<1x400x32xf32, #tpu.memory_space<vmem>>
      %dma_wait3A_252 = tpu.memref_squeeze %dma_wait3A_251 : memref<1x400x32xf32, #tpu.memory_space<vmem>> -> memref<400x32xf32, #tpu.memory_space<vmem>>
      tpu.wait_dma2 semaphore(%dma_wait3A_246 : memref<!tpu.dma_semaphore, #tpu.memory_space<semaphore_mem>>) src(%dma_wait3A_252 : memref<400x32xf32, #tpu.memory_space<vmem>>) dst(%dma_wait3A_248 : memref<400x32xf32, #tpu.memory_space<hbm>>)
      %rem3A_253 = arith.constant 2 : i32
      %rem3A_254 = arith.remui %scan3A_163#15, %rem3A_253 : i32
      %mul3A_255 = arith.constant 400 : i32
      %mul3A_256 = arith.muli %mul3A_255, %add3A_172 : i32
      %dma_wait3A_257 = arith.constant 0 : i32
      %dma_wait3A_258 = arith.constant 0 : i32
      %dma_wait3A_259 = tpu.memref_slice %run_scoped3A_20[%rem3A_254, %dma_wait3A_257, %dma_wait3A_258] : memref<2x400x32xf32, #tpu.memory_space<vmem>> -> memref<1x400x32xf32, #tpu.memory_space<vmem>>
      %dma_wait3A_260 = tpu.memref_squeeze %dma_wait3A_259 : memref<1x400x32xf32, #tpu.memory_space<vmem>> -> memref<400x32xf32, #tpu.memory_space<vmem>>
      %dma_wait3A_261 = arith.constant 96 : i32
      %dma_wait3A_262 = tpu.memref_slice %arg4[%mul3A_256, %dma_wait3A_261] : memref<3276800x128xf32, #tpu.memory_space<hbm>> -> memref<400x32xf32, #tpu.memory_space<hbm>>
      %dma_wait3A_263 = tpu.memref_slice %run_scoped3A_21[%rem3A_254] : memref<2x!tpu.dma_semaphore, #tpu.memory_space<semaphore_mem>> -> memref<1x!tpu.dma_semaphore, #tpu.memory_space<semaphore_mem>>
      %dma_wait3A_264 = tpu.memref_squeeze %dma_wait3A_263 : memref<1x!tpu.dma_semaphore, #tpu.memory_space<semaphore_mem>> -> memref<!tpu.dma_semaphore, #tpu.memory_space<semaphore_mem>>
      %dma_wait3A_265 = arith.constant 96 : i32
      %dma_wait3A_266 = tpu.memref_slice %arg4[%mul3A_256, %dma_wait3A_265] : memref<3276800x128xf32, #tpu.memory_space<hbm>> -> memref<400x32xf32, #tpu.memory_space<hbm>>
      %dma_wait3A_267 = arith.constant 0 : i32
      %dma_wait3A_268 = arith.constant 0 : i32
      %dma_wait3A_269 = tpu.memref_slice %run_scoped3A_20[%rem3A_254, %dma_wait3A_267, %dma_wait3A_268] : memref<2x400x32xf32, #tpu.memory_space<vmem>> -> memref<1x400x32xf32, #tpu.memory_space<vmem>>
      %dma_wait3A_270 = tpu.memref_squeeze %dma_wait3A_269 : memref<1x400x32xf32, #tpu.memory_space<vmem>> -> memref<400x32xf32, #tpu.memory_space<vmem>>
      tpu.wait_dma2 semaphore(%dma_wait3A_264 : memref<!tpu.dma_semaphore, #tpu.memory_space<semaphore_mem>>) src(%dma_wait3A_270 : memref<400x32xf32, #tpu.memory_space<vmem>>) dst(%dma_wait3A_266 : memref<400x32xf32, #tpu.memory_space<hbm>>)
      "tpu.trace_stop"() : () -> ()
      tpu.yield
    }) : () -> ()
    return
  }
}

</mosaic_0001>

<sc_bundles>
// kernel: kernel.3.cloned.1.call-start
scs
__scs_entry_jumppad:
0x0: {  	(pc) =	sbr.rel $0x88, $3  }
0x1: {  	(tag) =	ssettag $0x0;
	lr =	simm.s32 $0x1  }
0x2: {  	[smem:$0x3F99] =	sst lr;
	_ =	strace $0xD0000000  }
0x3: {  	_ = 	snop  }
0x4: {  	_ = 	snop  }
0x5: {  	_ = 	snop  }
0x6: {  	_ = 	snop  }
0x7: {  	_ = 	snop  }
__scs_overlays_trampoline_lowered:
0x8: {  	[smem:$0x3FA8] =	sst s0  }
0x9: {  	[smem:$0x3FA9] =	sst s1  }
0xa: {  	[smem:$0x3FAA] =	sst s2  }
0xb: {  	[smem:$0x3FAB] =	sst s3  }
0xc: {  	[smem:$0x3FAC] =	sst s4  }
0xd: {  	[smem:$0x3FAD] =	sst s5  }
0xe: {  	[smem:$0x3FAE] =	sst s6  }
0xf: {  	[smem:$0x3FAF] =	sst s7  }
0x10: {  	[smem:$0x3FB0] =	sst s8  }
0x11: {  	[smem:$0x3FB1] =	sst s9;
	s0 =	simm.s32 @!p0 $0x0  }
0x12: {  	s1 =	sld [smem:$0x3F97];
	s0 =	simm.s32 @p0 $0x1  }
0x13: {  	[smem:$0x3FB2] =	sst s0;
	s0 =	simm.s32 @!p1 $0x0  }
0x14: {  	s2 =	sld [smem:$0x3F96];
	s0 =	simm.s32 @p1 $0x1  }
0x15: {  	[smem:$0x3FB3] =	sst s0;
	s0 =	simm.s32 @!p2 $0x0  }
0x16: {  	s3 =	sld [smem:$0x3FDB];
	s0 =	simm.s32 @p2 $0x1  }
0x17: {  	s4 =	simm.s32 $0x1BF5;
	[smem:$0x3FB5] =	sst s0  }
0x18: {  	s0 =	sld [smem:$0x3F98];
	_ =	swait.ge [sflag:s4], $0x0  }
0x19: {  	s7 =	sld [smem:$0x3F99]  }
0x1a: {  	s8 =	sadd.s32 $0xFFFFE003, lr  }
0x1b: {  	s9 =	sadd.s32 $0xFFFFFEF7, lr;
	s5 =	simm.s32 $0xFFFFFFFF;
	p2 =	slt.u32 s8, $0xFFFFF086  }
0x1c: {  	p1 =	slt.u32 s9, $0xF7A;
	s5 =	simm.s32 @!p2 $0x0  }
0x1d: {  	s5 =	simm.s32 @p1 $0x1;
	p0 =	seq.s32 s7, s2  }
0x1e: {  	s7 =	smul.u32 @!p0 $0xF7A, s2;
	p2 =	seq.s32 @!p0 s5, $0x0  }
0x1f: {  	s9 =	smul.u32 $0xF7A, s1;
	s8 =	simm.s32 @!p0 $0x1BF5;
	p2 =	por !p2, p0  }
0x20: {  	[sflag:s8] =	ssyncset.s32 @!p0 $0xFFFFF086;
	s6 =	sadd.s32 @!p0 s3, s7;
	s7 =	simm.s32 @!p0 $0x108  }
0x21: {  	s3 =	sadd.s32 s3, s9;
	s6 =	sadd.s32 @!p0 $0x88, s6;
	s7 =	simm.s32 @p2 $0x1082  }
0x22: {  	[simem:s7], [sflag:s8] =	dma.local @!p0 [hbm:s6], $0xF7A  }
0x23: {  	s9 =	sor.u32 $0xD0000000, s2;
	s6 =	simm.s32 $0x108;
	_ =	swait.ge @!p0 [sflag:s8], $0x0  }
0x24: {  	s3 =	sadd.s32 $0x88, s3;
	s6 =	simm.s32 @!p1 $0x1082;
	[sflag:s4] =	ssyncset.s32 $0xFFFFF086  }
0x25: {  	[simem:s6], [sflag:s4] =	dma.local [hbm:s3], $0xF7A  }
0x26: {  	[smem:$0x3F99] =	sst s1;
	(tag) =	ssettag s2;
	_ =	strace s9  }
0x27: {  	s1 =	sld [smem:$0x3FA9]  }
0x28: {  	s2 =	sld [smem:$0x3FAA]  }
0x29: {  	s4 =	sld [smem:$0x3FAC]  }
0x2a: {  	p0 =	seq.s32 s5, $0x0;
	s5 =	sld [smem:$0x3FAD]  }
0x2b: {  	s6 =	sld [smem:$0x3FAE]  }
0x2c: {  	s7 =	sld [smem:$0x3FAF]  }
0x2d: {  	s3 =	simm.s32 $0x108;
	s8 =	sld [smem:$0x3FB0]  }
0x2e: {  	s3 =	simm.s32 @!p0 $0x1082;
	s9 =	sld [smem:$0x3FB1]  }
0x2f: {  	lr =	sadd.s32 s0, s3;
	s0 =	sld [smem:$0x3FA8]  }
0x30: {  	s3 =	sld [smem:$0x3FAB]  }
0x31: {  	[smem:$0x3FB4] =	sst s10  }
0x32: {  	s10 =	sld [smem:$0x3FB2];
	_ =	sdelay $0x3  }
0x33: {  	p0 =	seq.s32 s10, $0x1;
	s10 =	sld [smem:$0x3FB4];
	_ =	sdelay $0x3  }
0x34: {  	[smem:$0x3FB4] =	sst s10  }
0x35: {  	s10 =	sld [smem:$0x3FB3];
	_ =	sdelay $0x3  }
0x36: {  	p1 =	seq.s32 s10, $0x1;
	s10 =	sld [smem:$0x3FB4];
	_ =	sdelay $0x3  }
0x37: {  	[smem:$0x3FB4] =	sst s10  }
0x38: {  	s10 =	sld [smem:$0x3FB5]  }
0x39: {  	_ = 	snop;
	(pc) =	sbr.ind lr, $3  }
0x3a: {  	_ = 	snop  }
0x3b: {  	_ = 	snop  }
0x3c: {  	p2 =	seq.s32 s10, $0x1;
	s10 =	sld [smem:$0x3FB4]  }
0x3d: {  	_ =	shalt  }
0x3e: {  	_ =	shalt  }
0x3f: {  	_ =	shalt  }
0x40: {  	_ =	shalt  }
0x41: {  	_ =	shalt  }
0x42: {  	_ =	shalt  }
0x43: {  	_ =	shalt  }
0x44: {  	_ =	shalt  }
0x45: {  	_ =	shalt  }
0x46: {  	_ =	shalt  }
0x47: {  	_ =	shalt  }
0x48: {  	_ =	shalt  }
0x49: {  	_ =	shalt  }
0x4a: {  	_ =	shalt  }
0x4b: {  	_ =	shalt  }
0x4c: {  	_ =	shalt  }
0x4d: {  	_ =	shalt  }
0x4e: {  	_ =	shalt  }
0x4f: {  	_ =	shalt  }
0x50: {  	_ =	shalt  }
0x51: {  	_ =	shalt  }
0x52: {  	_ =	shalt  }
0x53: {  	_ =	shalt  }
0x54: {  	_ =	shalt  }
0x55: {  	_ =	shalt  }
0x56: {  	_ =	shalt  }
0x57: {  	_ =	shalt  }
0x58: {  	_ =	shalt  }
0x59: {  	_ =	shalt  }
0x5a: {  	_ =	shalt  }
0x5b: {  	_ =	shalt  }
0x5c: {  	_ =	shalt  }
0x5d: {  	_ =	shalt  }
0x5e: {  	_ =	shalt  }
0x5f: {  	_ =	shalt  }
0x60: {  	_ =	shalt  }
0x61: {  	_ =	shalt  }
0x62: {  	_ =	shalt  }
0x63: {  	_ =	shalt  }
0x64: {  	_ =	shalt  }
0x65: {  	_ =	shalt  }
0x66: {  	_ =	shalt  }
0x67: {  	_ =	shalt  }
0x68: {  	_ =	shalt  }
0x69: {  	_ =	shalt  }
0x6a: {  	_ =	shalt  }
0x6b: {  	_ =	shalt  }
0x6c: {  	_ =	shalt  }
0x6d: {  	_ =	shalt  }
0x6e: {  	_ =	shalt  }
0x6f: {  	_ =	shalt  }
0x70: {  	_ =	shalt  }
0x71: {  	_ =	shalt  }
0x72: {  	_ =	shalt  }
0x73: {  	_ =	shalt  }
0x74: {  	_ =	shalt  }
0x75: {  	_ =	shalt  }
0x76: {  	_ =	shalt  }
0x77: {  	_ =	shalt  }
0x78: {  	_ =	shalt  }
0x79: {  	_ =	shalt  }
0x7a: {  	_ =	shalt  }
0x7b: {  	_ =	shalt  }
0x7c: {  	_ =	shalt  }
0x7d: {  	_ =	shalt  }
0x7e: {  	_ =	shalt  }
0x7f: {  	_ =	shalt  }
0x80: {  	_ =	shalt  }
0x81: {  	_ =	shalt  }
0x82: {  	_ =	shalt  }
0x83: {  	_ =	shalt  }
0x84: {  	_ =	shalt  }
0x85: {  	_ =	shalt  }
0x86: {  	_ =	shalt  }
0x87: {  	_ =	shalt  }
.Lfunc_end0:
.L_simem_size_0:
called_computation.2_lowered:
.L_overlay_start_0:
0x88: {  	s2 =	sld [smem:$0x3FD9]  }
0x89: {  	s3 =	sld [smem:$0x3FFE];
	_ =	sdelay $0x1  }
0x8a: {  	s1 =	srdreg.scid  }
0x8b: {  	s0 =	sand.u32 $0x1, s1  }
0x8c: {  	s17 =	sshll.u32 s0, $0xA;
	s2 =	sadd.s32 s3, s2  }
0x8d: {  	s2 =	sadd.s32 s2, s17  }
0x8e: {  	[smem:$0x3FC0] =	sst s2  }
0x8f: {  	_ = 	snop  }
0x90: {  	s2 =	sld [smem:$0x3FD0];
	(tm) =	ssettm $0x1  }
0x91: {  	s18 =	sld [smem:$0x3FFB];
	_ =	sdelay $0x3  }
0x92: {  	_ =	strace s18  }
0x93: {  	s3 =	sld [smem:$0x3FFC];
	_ =	sdelay $0x3  }
0x94: {  	_ =	strace s3  }
0x95: {  	s3 =	sld [smem:$0x3FFD];
	_ =	sdelay $0x3  }
0x96: {  	_ =	strace s3  }
0x97: {  	_ =	strace $0x8FFFFFFF  }
0x98: {  	s19 =	sld [smem:$0x3FDB];
	_ =	sdelay $0x1  }
0x99: {  	s4 =	simm.s32 $_scs_section_size  }
0x9a: {  	s5 =	simm.s32 $_size__tile_overlayer_lowered;
	s6 =	simm.s32 $_tile_overlayer_lowered  }
0x9b: {  	s22 =	simm.s32 $0x1BFF;
	s21 =	sshll.u32 s6, $0x1;
	s3 =	sadd.s32 s4, s19  }
0x9c: {  	s7 =	simm.s32 $0x0;
	s20 =	sshll.u32 s5, $0x1;
	s5 =	sadd.s32 s21, s3  }
0x9d: {  	[timem:s7], [sflag:s22] =	dma.local [hbm:s5], s20  }
0x9e: {  	_ =	swait.ge [sflag:s22], s20  }
0x9f: {  	s4 =	ssub.s32 $0x0, s20;
	[sflag:s22] =	ssyncset.done $0x0  }
0xa0: {  	[sflag:s22] =	ssyncadd.s32 s4;
	_ =	sdelay $0x1  }
0xa1: {  	s23 =	simm.s32 $0x1B8B  }
0xa2: {  	_ =	swait.ge [sflag:s23], $0x1  }
0xa3: {  	[sflag:s23] =	ssyncset.done $0x0  }
0xa4: {  	s25 =	simm.s32 $0x1B8E;
	s24 =	sld [smem:$0x3FFE];
	[sflag:s23] =	ssyncadd.s32 $0xFFFFFFFF  }
0xa5: {  	s26 =	simm.s32 $execute0_lowered;
	[smem:$0x3FD2] =	sst s25  }
0xa6: {  	s5 =	sshll.u32 s26, $0x1;
	_ =	strace $0x8000004C;
	[dreg:$0x1] =	wrdreg $0xFFFFFFFF  }
0xa7: {  	s28 =	simm.s32 $_size_execute0_lowered;
	s3 =	sadd.s32 s3, s5;
	[dreg:$0x0] =	wrdreg $0x0  }
0xa8: {  	s5 =	sshll.u32 s28, $0x1;
	[dreg:$0x2] =	wrdreg s3  }
0xa9: {  	[dreg:$0x3] =	wrdreg s5  }
0xaa: {  	[dreg:$0x4] =	wrdreg $0xC0  }
0xab: {  	_ =	task [dreg:s7], $0x5FFFF  }
0xac: {  	[dreg:$0x1] =	wrdreg $0xFFFFFFFF  }
0xad: {  	[dreg:$0x0] =	wrdreg $0x60  }
0xae: {  	[dreg:$0x2] =	wrdreg s24  }
0xaf: {  	[dreg:$0x3] =	wrdreg s2  }
0xb0: {  	[dreg:$0x4] =	wrdreg $0x9  }
0xb1: {  	_ =	task.clear_ibuf [dreg:s7], $0x5FFFF;
	_ =	strace $0x9000004C  }
0xb2: {  	s29 =	simm.s32 $0x9;
	_ =	strace $0x80000061  }
0xb3: {  	_ =	swait.ge [sflag:s29], $0x1  }
0xb4: {  	[sflag:s29] =	ssyncadd.s32 $0xFFFFFFFF  }
0xb5: {  	_ =	strace $0x90000061  }
0xb6: {  	_ =	sfence  }
0xb7: {  	s30 =	sld [smem:$0x0];
	_ =	sdelay $0x2  }
0xb8: {  	s31 =	sshll.u32 s1, $0xD;
	s1 =	sshrl.u32 s1, $0x2  }
0xb9: {  	s3 =	sand.u32 $0x4000, s31;
	s1 =	sadd.s32 s1, s30  }
0xba: {  	s0 =	sor.u32 s3, s0;
	s1 =	sshll.u32 s1, $0x11  }
0xbb: {  	s0 =	sor.u32 s1, s0  }
0xbc: {  	s0 =	sadd.s32 $0x8F2B, s0  }
0xbd: {  	[sflag:s0] =	ssyncadd.remote.s32 $0x1  }
0xbe: {  	_ =	sfence.sel $0xFFFF  }
0xbf: {  	[dreg:$0x0] =	wrdreg $0xFFFFFFFF;
	(pc) =	sbr.abs _section_cstart, $3  }
0xc0: {  	[dreg:$0x1] =	wrdreg $0xFFFFFFFF  }
0xc1: {  	_ =	task.clear_ibuf [dreg:s7], $0x2FFFF;
	_ =	strace $0x9FFFFFFF  }
0xc2: {  	(tm) =	ssettm $0x7FFFFFFF  }
0xc3: {  	_ =	shalt  }
tec
execute0_lowered:
.L_overlay_start_1:
0x0: {  	(tag) =	ssettag $0x1  }
0x1: {  	s1 =	rddreg [dreg:$0x0]  }
0x2: {  	s0 =	srdreg.scid;
	s6 =	rddreg [dreg:$0x1];
	s4 =	simm.s32 $0x0  }
0x3: {  	s3 =	stileid.u32;
	s0 =	sand.u32 $0x1, s0;
	[smem:$0x7FF] =	sst s4  }
0x4: {  	s5 =	sadd.s32 $0x103000, s1;
	s29 =	sadd.s32 $0x4, s6;
	s30 =	sadd.s32 $0x8, s6  }
0x5: {  	s31 =	sadd.s32 $0xC, s6;
	s2 =	sshll.u32 s0, $0x4;
	_ =	strace $0x8000004D  }
0x6: {  	s0 =	ssub.s32 $0x2, s0;
	[dreg:$0x8] =	wrdreg s29;
	s2 =	sor.u32 s3, s2  }
0x7: {  	[dreg:$0x9] =	wrdreg s30;
	s23 =	sshrl.u32 s0, $0x1;
	s3 =	smul.u32 $0x19000, s2  }
0x8: {  	[dreg:$0xa] =	wrdreg s31;
	s0 =	ssub.s32 s0, s23;
	s24 =	sshll.u32 s2, $0x8  }
0x9: {  	[dreg:$0x3] =	wrdreg s24;
	s0 =	smax.u32 s0, $0x1;
	s3 =	sshrl.u32 s3, $0x3  }
0xa: {  	[dreg:$0xb] =	wrdreg s0;
	s25 =	sadd.s32 s5, s3  }
0xb: {  	s26 =	sadd.s32 $0x64000, s25;
	[dreg:$0x4] =	wrdreg s25  }
0xc: {  	s18 =	simm.s32 $0x190;
	s28 =	sadd.s32 $0xC8000, s25;
	[dreg:$0x5] =	wrdreg s26  }
0xd: {  	s4 =	sadd.s32 $0x1200, s1;
	s1 =	sadd.s32 $0x12C000, s25;
	[dreg:$0x6] =	wrdreg s28  }
0xe: {  	s19 =	simm.s32 $0x1;
	[dreg:$0x7] =	wrdreg s1;
	s1 =	simm.s32 $0x0  }
.LBB2_1:
0xf: {  	[dreg:$0xc] =	wrdreg s1  }
0x10: {  	s0 =	simm.s32 $0x0;
	s2 =	simm.s32 $0x320;
	s23 =	simm.s32 $0x640  }
0x11: {  	s25 =	simm.s32 $0x960;
	s9 =	simm.s32 $0x0;
	s15 =	simm.s32 $0x0  }
0x12: {  	s26 =	simm.s32 $0x0;
	s16 =	simm.s32 $0x0;
	s28 =	simm.s32 $0x0  }
0x13: {  	s8 =	simm.s32 $0x0;
	s29 =	simm.s32 $0x0;
	_ =	strace $0x8000004E  }
0x14: {  	s30 =	simm.s32 $0x0;
	s31 =	simm.s32 $0x1;
	s20 =	rddreg [dreg:$0x4]  }
0x15: {  	[tilespmem:s0], [sflag:$0x2] =	stream.linear.gather [hbm4b:s20+s0], $0x190, $0x200038;
	[tilespmem:$0x19C80] =	vst v63  }
0x16: {  	s14 =	simm.s32 $0x1;
	s1 =	simm.s32 $0x0;
	s21 =	rddreg [dreg:$0x5]  }
0x17: {  	[tilespmem:s2], [sflag:$0x4] =	stream.linear.gather [hbm4b:s21+s0], $0x190, $0x200038;
	[tilespmem:$0x19C80] =	vst v63  }
0x18: {  	s10 =	simm.s32 $0x1;
	s17 =	simm.s32 $0x0;
	s22 =	rddreg [dreg:$0x6]  }
0x19: {  	[tilespmem:s23], [sflag:$0x6] =	stream.linear.gather [hbm4b:s22+s0], $0x190, $0x200038;
	[tilespmem:$0x19C80] =	vst v63  }
0x1a: {  	s7 =	simm.s32 $0x1;
	s24 =	rddreg [dreg:$0x7];
	s23 =	simm.s32 $0x0  }
0x1b: {  	[tilespmem:s25], [sflag:$0x8] =	stream.linear.gather [hbm4b:s24+s0], $0x190, $0x200038;
	[tilespmem:$0x19C80] =	vst v63  }
0x1c: {  	s24 =	simm.s32 $0x100;
	_ =	strace $0x9000004E;
	[dreg:$0xd] =	wrdreg s26  }
0x1d: {  	s25 =	simm.s32 $0x0;
	s0 =	simm.s32 $0x0;
	[dreg:$0xe] =	wrdreg s28  }
.LBB2_2:
0x1e: {  	s3 =	sadd.s32 $0x1, s9  }
0x1f: {  	p0 =	seq.s32 s3, $0x100  }
0x20: {  	s3 =	simm.s32 @p0 $0x0;
	p0 =	seq.s32 s24, $0x1  }
0x21: {  	p2 =	seq.s32 @!p0 s9, s3  }
0x22: {  	s6 =	rddreg [dreg:$0x3];
	p1 =	por p2, p0  }
0x23: {  	s6 =	sadd.s32 @!p1 s6, s3  }
0x24: {  	s2 =	sand.u32 @!p1 $0x1, s7;
	s6 =	smul.u32 @!p1 $0x190, s6  }
0x25: {  	s11 =	smul.u32 @!p1 $0x640, s2  }
0x26: {  	_ =	strace @!p1 $0x8000004F;
	s13 =	simm.s32 @!p1 $0x0;
	s12 =	sshrl.u32 @!p1 s6, $0x3  }
0x27: {  	s2 =	sor.u32 @!p1 $0x2, s2;
	s11 =	sshrl.u32 @!p1 s11, $0x2;
	s12 =	sadd.s32 @!p1 s5, s12  }
0x28: {  	[tilespmem:s11], [sflag:s2] =	stream.linear.gather @!p1 [hbm4b:s12+s13], $0x190, $0x200038;
	[tilespmem:$0x19C80] =	vst v63  }
0x29: {  	s2 =	sand.u32 @!p1 $0x1, s10  }
0x2a: {  	s11 =	smul.u32 @!p1 $0x640, s2  }
0x2b: {  	s12 =	sadd.s32 @!p1 $0x320000, s6;
	_ =	strace @!p1 $0x9000004F  }
0x2c: {  	s12 =	sshrl.u32 @!p1 s12, $0x3;
	s2 =	sor.u32 @!p1 $0x4, s2;
	s11 =	sshrl.u32 @!p1 s11, $0x2  }
0x2d: {  	_ =	strace @!p1 $0x80000050;
	s12 =	sadd.s32 @!p1 s5, s12;
	s11 =	sadd.s32 @!p1 $0x320, s11  }
0x2e: {  	[tilespmem:s11], [sflag:s2] =	stream.linear.gather @!p1 [hbm4b:s12+s13], $0x190, $0x200038;
	[tilespmem:$0x19C80] =	vst v63  }
0x2f: {  	s2 =	sand.u32 @!p1 $0x1, s14  }
0x30: {  	s11 =	smul.u32 @!p1 $0x640, s2  }
0x31: {  	s12 =	sadd.s32 @!p1 $0x640000, s6;
	_ =	strace @!p1 $0x90000050  }
0x32: {  	s12 =	sshrl.u32 @!p1 s12, $0x3;
	s2 =	sor.u32 @!p1 $0x6, s2;
	s11 =	sshrl.u32 @!p1 s11, $0x2  }
0x33: {  	_ =	strace @!p1 $0x80000051;
	s12 =	sadd.s32 @!p1 s5, s12;
	s11 =	sadd.s32 @!p1 $0x640, s11  }
0x34: {  	[tilespmem:s11], [sflag:s2] =	stream.linear.gather @!p1 [hbm4b:s12+s13], $0x190, $0x200038;
	[tilespmem:$0x19C80] =	vst v63  }
0x35: {  	s2 =	sand.u32 @!p1 $0x1, s31  }
0x36: {  	s6 =	sadd.s32 @!p1 $0x960000, s6;
	s11 =	smul.u32 @!p1 $0x640, s2  }
0x37: {  	s6 =	sshrl.u32 @!p1 s6, $0x3  }
0x38: {  	s6 =	sadd.s32 @!p1 s5, s6;
	_ =	strace @!p1 $0x90000051;
	s11 =	sshrl.u32 @!p1 s11, $0x2  }
0x39: {  	s2 =	sor.u32 @!p1 $0x8, s2;
	_ =	strace @!p1 $0x80000052;
	s11 =	sadd.s32 @!p1 $0x960, s11  }
0x3a: {  	[tilespmem:s11], [sflag:s2] =	stream.linear.gather @!p1 [hbm4b:s6+s13], $0x190, $0x200038;
	[tilespmem:$0x19C80] =	vst v63  }
0x3b: {  	s2 =	sand.u32 $0x1, s17;
	_ =	strace @!p1 $0x90000052  }
0x3c: {  	s11 =	sor.u32 $0x2, s2;
	_ =	strace $0x80000053  }
0x3d: {  	_ =	swait.ge [sflag:s11], $0x190  }
0x3e: {  	[sflag:s11] =	ssyncset.done $0x0  }
0x3f: {  	[sflag:s11] =	ssyncadd.s32 $0xFFFFFE70  }
0x40: {  	s6 =	sand.u32 $0x1, s1;
	_ =	strace $0x90000053  }
0x41: {  	s12 =	sor.u32 $0x4, s6;
	_ =	strace $0x80000054  }
0x42: {  	_ =	swait.ge [sflag:s12], $0x190  }
0x43: {  	[sflag:s12] =	ssyncset.done $0x0  }
0x44: {  	[sflag:s12] =	ssyncadd.s32 $0xFFFFFE70  }
0x45: {  	s26 =	sand.u32 $0x1, s0;
	_ =	strace $0x90000054  }
0x46: {  	s13 =	sor.u32 $0x6, s26;
	_ =	strace $0x80000055  }
0x47: {  	_ =	swait.ge [sflag:s13], $0x190  }
0x48: {  	[sflag:s13] =	ssyncset.done $0x0  }
0x49: {  	[sflag:s13] =	ssyncadd.s32 $0xFFFFFE70  }
0x4a: {  	s28 =	sand.u32 $0x1, s30;
	_ =	strace $0x90000055  }
0x4b: {  	s20 =	sor.u32 $0x8, s28;
	_ =	strace $0x80000056  }
0x4c: {  	_ =	swait.ge [sflag:s20], $0x190  }
0x4d: {  	[sflag:s20] =	ssyncset.done $0x0  }
0x4e: {  	p3 =	seq.s32 s2, $0x1;
	[sflag:s20] =	ssyncadd.s32 $0xFFFFFE70  }
0x4f: {  	s2 =	simm.s32 $0x190;
	s13 =	sand.u32 $0x1, s29;
	_ =	strace $0x90000056  }
0x50: {  	s2 =	simm.s32 @!p3 $0x0;
	s20 =	smul.u32 $0xC800, s13;
	s21 =	rddreg [dreg:$0xe]  }
0x51: {  	p3 =	seq.s32 s6, $0x1;
	s6 =	simm.s32 $0x4B0;
	s22 =	rddreg [dreg:$0xd]  }
0x52: {  	_ =	strace $0x80000057;
	s20 =	sshrl.u32 s20, $0x2;
	s12 =	sand.u32 $0x1, s21  }
0x53: {  	s11 =	sand.u32 $0x1, s22;
	s20 =	sadd.s32 $0xC80, s20;
	s21 =	smul.u32 $0xC800, s12  }
0x54: {  	[tilespmem:s20], [sflag:$0x1] =	stream.indirect.gather [hbm4b:s4+s18], $0x20, s2, s18, $0x2000b8;
	[tilespmem:$0x19C80] =	vst v63  }
0x55: {  	s6 =	simm.s32 @!p3 $0x320;
	s2 =	smul.u32 $0xC800, s11  }
0x56: {  	p3 =	seq.s32 s26, $0x1;
	s26 =	simm.s32 $0x7D0;
	s21 =	sshrl.u32 s21, $0x2  }
0x57: {  	s22 =	sand.u32 $0x1, s25;
	s2 =	sshrl.u32 s2, $0x2;
	s21 =	sadd.s32 $0x7080, s21  }
0x58: {  	[tilespmem:s21], [sflag:$0x1] =	stream.indirect.gather [hbm4b:s4+s18], $0x20, s6, s18, $0x2000b8;
	[tilespmem:$0x19C80] =	vst v63  }
0x59: {  	s26 =	simm.s32 @!p3 $0x640;
	s6 =	sadd.s32 $0xD480, s2;
	s2 =	smul.u32 $0xC800, s22  }
0x5a: {  	[tilespmem:s6], [sflag:$0x1] =	stream.indirect.gather [hbm4b:s4+s18], $0x20, s26, s18, $0x2000b8;
	[tilespmem:$0x19C80] =	vst v63  }
0x5b: {  	p3 =	seq.s32 s28, $0x1;
	s28 =	simm.s32 $0xAF0;
	s2 =	sshrl.u32 s2, $0x2  }
0x5c: {  	s28 =	simm.s32 @!p3 $0x960;
	s26 =	sadd.s32 $0x13880, s2  }
0x5d: {  	[tilespmem:s26], [sflag:$0x1] =	stream.indirect.gather [hbm4b:s4+s18], $0x20, s28, s18, $0x2000b8;
	[tilespmem:$0x19C80] =	vst v63  }
0x5e: {  	_ =	swait.ge [sflag:s19], $0x3200  }
0x5f: {  	[sflag:s19] =	ssyncset.done $0x0  }
0x60: {  	[sflag:s19] =	ssyncadd.s32 $0xFFFFCE00  }
0x61: {  	_ =	swait.ge [sflag:s19], $0x3200  }
0x62: {  	[sflag:s19] =	ssyncset.done $0x0  }
0x63: {  	[sflag:s19] =	ssyncadd.s32 $0xFFFFCE00  }
0x64: {  	_ =	swait.ge [sflag:s19], $0x3200  }
0x65: {  	[sflag:s19] =	ssyncset.done $0x0  }
0x66: {  	[sflag:s19] =	ssyncadd.s32 $0xFFFFCE00  }
0x67: {  	_ =	swait.ge [sflag:s19], $0x3200  }
0x68: {  	[sflag:s19] =	ssyncset.done $0x0  }
0x69: {  	[sflag:s19] =	ssyncadd.s32 $0xFFFFCE00  }
0x6a: {  	p3 =	por p0, !p2;
	s2 =	simm.s32 $0x0;
	_ =	strace $0x90000057  }
0x6b: {  	s2 =	rddreg @p3 [dreg:$0x3]  }
0x6c: {  	s2 =	sadd.s32 @p3 s2, s9  }
0x6d: {  	s2 =	smul.u32 @p3 $0xC800, s2  }
0x6e: {  	_ =	strace @p3 $0x80000058  }
0x6f: {  	s9 =	sor.u32 @p3 $0xA, s13;
	s13 =	rddreg @p3 [dreg:$0x1];
	s2 =	sshrl.u32 @p3 s2, $0x3  }
0x70: {  	s28 =	simm.s32 @p3 $0x20;
	s18 =	simm.s32 @p3 $0x80;
	s13 =	sadd.s32 @p3 s13, s2  }
0x71: {  	[hbm4b:s13+s28] =	stream.strided.scatter @p3 [tilespmem:s20], [sflag:s9], $0x3200, s18, s28, $0x200038;
	[tilespmem:$0x19C80] =	vst v63  }
0x72: {  	_ =	strace @p3 $0x90000058  }
0x73: {  	_ =	strace @p3 $0x80000059  }
0x74: {  	s9 =	sor.u32 @p3 $0xC, s12;
	s12 =	rddreg @p3 [dreg:$0x8]  }
0x75: {  	s12 =	sadd.s32 @p3 s2, s12  }
0x76: {  	[hbm4b:s12+s28] =	stream.strided.scatter @p3 [tilespmem:s21], [sflag:s9], $0x3200, s18, s28, $0x200038;
	[tilespmem:$0x19C80] =	vst v63  }
0x77: {  	_ =	strace @p3 $0x90000059  }
0x78: {  	_ =	strace @p3 $0x8000005A  }
0x79: {  	s9 =	sor.u32 @p3 $0xE, s11;
	s11 =	rddreg @p3 [dreg:$0x9]  }
0x7a: {  	s11 =	sadd.s32 @p3 s2, s11  }
0x7b: {  	[hbm4b:s11+s28] =	stream.strided.scatter @p3 [tilespmem:s6], [sflag:s9], $0x3200, s18, s28, $0x200038;
	[tilespmem:$0x19C80] =	vst v63  }
0x7c: {  	_ =	strace @p3 $0x9000005A  }
0x7d: {  	_ =	strace @p3 $0x8000005B  }
0x7e: {  	s9 =	rddreg @p3 [dreg:$0xa]  }
0x7f: {  	s6 =	sor.u32 @p3 $0x10, s22;
	s2 =	sadd.s32 @p3 s2, s9  }
0x80: {  	[hbm4b:s2+s28] =	stream.strided.scatter @p3 [tilespmem:s26], [sflag:s6], $0x3200, s18, s28, $0x200038;
	[tilespmem:$0x19C80] =	vst v63  }
0x81: {  	s2 =	rddreg @p3 [dreg:$0xe]  }
0x82: {  	s2 =	sadd.s32 @p3 $0x1, s2  }
0x83: {  	p2 =	por !p2, p0;
	s29 =	sadd.s32 @p3 $0x1, s29;
	[dreg:$0xe] =	wrdreg @p3 s2  }
0x84: {  	s20 =	smov.u32 s7;
	s11 =	sadd.s32 @!p1 $0x1, s7;
	s2 =	rddreg @p3 [dreg:$0xd]  }
0x85: {  	s21 =	smov.u32 s10;
	s20 =	smov.u32 @p2 s11;
	s2 =	sadd.s32 @p3 $0x1, s2  }
0x86: {  	s11 =	sadd.s32 @!p1 $0x1, s10;
	s18 =	simm.s32 @p3 $0x190;
	[dreg:$0xd] =	wrdreg @p3 s2  }
0x87: {  	s2 =	simm.s32 @p3 $0x1;
	_ =	strace @p3 $0x9000005B;
	p3 =	seq.s32 s24, $0x100  }
0x88: {  	s13 =	smov.u32 s14;
	s21 =	smov.u32 @p2 s11;
	s6 =	sand.u32 @!p3 $0x1, s8  }
0x89: {  	s21 =	smov.u32 @p0 s10;
	_ =	strace @!p3 $0x8000005C;
	s6 =	sor.u32 @!p3 $0xA, s6  }
0x8a: {  	s20 =	smov.u32 @p0 s7;
	s10 =	smov.u32 s21;
	_ =	swait.ge @!p3 [sflag:s6], $0x3200  }
0x8b: {  	s25 =	sadd.s32 s25, s2;
	s24 =	sadd.s32 $0xFFFFFFFF, s24;
	[sflag:s6] =	ssyncset.done @!p3 $0x0  }
0x8c: {  	s17 =	sadd.s32 s17, s2;
	s1 =	sadd.s32 s1, s2;
	[sflag:s6] =	ssyncadd.s32 @!p3 $0xFFFFCE00  }
0x8d: {  	s0 =	sadd.s32 s0, s2;
	s6 =	sand.u32 @!p3 $0x1, s16;
	_ =	strace @!p3 $0x9000005C  }
0x8e: {  	s30 =	sadd.s32 s30, s2;
	s6 =	sor.u32 @!p3 $0xC, s6;
	_ =	strace @!p3 $0x8000005D  }
0x8f: {  	s9 =	sand.u32 @!p3 $0x1, s15;
	s12 =	sadd.s32 @!p3 $0x1, s8;
	_ =	swait.ge @!p3 [sflag:s6], $0x3200  }
0x90: {  	s11 =	sadd.s32 @!p3 $0x1, s16;
	s7 =	simm.s32 @!p3 $0x1;
	[sflag:s6] =	ssyncset.done @!p3 $0x0  }
0x91: {  	s9 =	sor.u32 @!p3 $0xE, s9;
	s12 =	smov.u32 @p3 s8;
	[sflag:s6] =	ssyncadd.s32 @!p3 $0xFFFFCE00  }
0x92: {  	s7 =	simm.s32 @p3 $0x0;
	s11 =	smov.u32 @p3 s16;
	_ =	strace @!p3 $0x9000005D  }
0x93: {  	s8 =	smov.u32 s12;
	s6 =	sadd.s32 @!p1 $0x1, s14;
	_ =	strace @!p3 $0x8000005E  }
0x94: {  	s13 =	smov.u32 @p2 s6;
	s6 =	simm.s32 $0x0;
	_ =	swait.ge @!p3 [sflag:s9], $0x3200  }
0x95: {  	s16 =	smov.u32 s11;
	s6 =	simm.s32 @p2 $0x1;
	[sflag:s9] =	ssyncset.done @!p3 $0x0  }
0x96: {  	s13 =	smov.u32 @p0 s14;
	s6 =	simm.s32 @p0 $0x0;
	[sflag:s9] =	ssyncadd.s32 @!p3 $0xFFFFCE00  }
0x97: {  	p0 =	sne.s32 s24, $0x0;
	s9 =	sand.u32 @!p3 $0x1, s23;
	_ =	strace @!p3 $0x9000005E  }
.Ltmp0:
0x98: {  	s9 =	sor.u32 @!p3 $0x10, s9;
	_ =	strace @!p3 $0x8000005F;
	(pc) =	sbr.rel @p0 .LBB2_2-.Ltmp0, $4  }
0x99: {  	s31 =	sadd.s32 s31, s6;
	s6 =	sadd.s32 @!p3 $0x1, s15;
	_ =	swait.ge @!p3 [sflag:s9], $0x3200  }
0x9a: {  	s14 =	smov.u32 s13;
	s6 =	smov.u32 @p3 s15;
	[sflag:s9] =	ssyncset.done @!p3 $0x0  }
0x9b: {  	s23 =	sadd.s32 s23, s7;
	s7 =	smov.u32 s20;
	[sflag:s9] =	ssyncadd.s32 @!p3 $0xFFFFCE00  }
0x9c: {  	s15 =	smov.u32 s6;
	s9 =	smov.u32 s3;
	_ =	strace @!p3 $0x9000005F  }
0x9d: {  	s0 =	sand.u32 $0x1, s12  }
0x9e: {  	_ =	strace $0x80000060;
	s0 =	sor.u32 $0xA, s0  }
0x9f: {  	_ =	swait.ge [sflag:s0], $0x3200  }
0xa0: {  	s1 =	sand.u32 $0x1, s11;
	[sflag:s0] =	ssyncset.done $0x0  }
0xa1: {  	s24 =	sor.u32 $0xC, s1;
	[sflag:s0] =	ssyncadd.s32 $0xFFFFCE00  }
0xa2: {  	_ =	swait.ge [sflag:s24], $0x3200  }
0xa3: {  	s25 =	sand.u32 $0x1, s6;
	[sflag:s24] =	ssyncset.done $0x0  }
0xa4: {  	s26 =	sor.u32 $0xE, s25;
	[sflag:s24] =	ssyncadd.s32 $0xFFFFCE00  }
0xa5: {  	_ =	swait.ge [sflag:s26], $0x3200  }
0xa6: {  	s28 =	sand.u32 $0x1, s23;
	[sflag:s26] =	ssyncset.done $0x0  }
0xa7: {  	s29 =	sor.u32 $0x10, s28;
	[sflag:s26] =	ssyncadd.s32 $0xFFFFCE00  }
0xa8: {  	_ =	swait.ge [sflag:s29], $0x3200  }
0xa9: {  	s30 =	rddreg [dreg:$0xc]  }
0xaa: {  	s31 =	rddreg [dreg:$0xb];
	s1 =	sadd.s32 $0x1, s30  }
0xab: {  	p0 =	sne.s32 s1, s31  }
.Ltmp1:
0xac: {  	_ = 	snop;
	(pc) =	sbr.rel @p0 .LBB2_1-.Ltmp1, $4  }
0xad: {  	_ = 	snop  }
0xae: {  	[sflag:s29] =	ssyncset.done $0x0  }
0xaf: {  	[sflag:s29] =	ssyncadd.s32 $0xFFFFCE00  }
0xb0: {  	_ =	strace $0x90000060  }
0xb1: {  	_ =	sfence.sel $0x180000  }
0xb2: {  	[bflag:$0x0] =	sbarrier.arrive $0xFFFF  }
0xb3: {  	_ =	strace $0x9000004D  }
0xb4: {  	s0 =	stileid.u32;
	[bflag:$0x2] =	sbarrier.arrive $0xFFFF  }
0xb5: {  	p0 =	sne.s32 s0, $0x0;
	s0 =	rddreg [dreg:$0x2]  }
0xb6: {  	s0 =	sadd.s32 @!p0 $0x100000, s0  }
0xb7: {  	[sflag:s0] =	ssyncadd.tile.s32 @!p0 $0x1;
	_ =	shalt  }
.Lfunc_end2:
_tile_overlayer_lowered:
.L_overlay_start_2:
0xb8: {  	(tag) =	ssettag $0x2  }
0xb9: {  	s0 =	rddreg [dreg:$0x0];
	s2 =	stileid.u32  }
0xba: {  	s1 =	rddreg [dreg:$0x1];
	p0 =	sne.s32 s2, $0x0  }
0xbb: {  	s3 =	rddreg [dreg:$0x2];
	[bflag:$0x3] =	sbarrier.arrive $0xFFFF;
	s2 =	simm.s32 @!p0 $0x1C02  }
0xbc: {  	[timem:s3], [sflag:s2] =	dma.local @!p0 [hbm:s0], s1  }
0xbd: {  	s0 =	simm.s32 @!p0 $0x2  }
0xbe: {  	_ =	swait.ge @!p0 [sflag:s0], s1  }
0xbf: {  	s1 =	ssub.s32 @!p0 $0x0, s1;
	[sflag:s0] =	ssyncset.done @!p0 $0x0  }
0xc0: {  	[sflag:s0] =	ssyncadd.s32 @!p0 s1  }
0xc1: {  	[bflag:$0x3] =	sbarrier.arrive $0xFFFF  }
0xc2: {  	_ =	shalt  }

// kernel: sparse-core-data-format-call.1.cloned.1.call-start
scs
called_computation.1_lowered:
.L_overlay_start_0:
0x0: {  	s2 =	sld [smem:$0x3FD9]  }
0x1: {  	s3 =	sld [smem:$0x3FFE];
	_ =	sdelay $0x1  }
0x2: {  	s1 =	srdreg.scid  }
0x3: {  	s0 =	sand.u32 $0x1, s1  }
0x4: {  	s18 =	sshll.u32 s0, $0xA;
	s2 =	sadd.s32 s3, s2  }
0x5: {  	s2 =	sadd.s32 s2, s18  }
0x6: {  	[smem:$0x3FC0] =	sst s2  }
0x7: {  	_ = 	snop  }
0x8: {  	s2 =	sld [smem:$0x3FD0];
	(tm) =	ssettm $0x1  }
0x9: {  	s19 =	sld [smem:$0x3FFB];
	_ =	sdelay $0x3  }
0xa: {  	_ =	strace s19  }
0xb: {  	s3 =	sld [smem:$0x3FFC];
	_ =	sdelay $0x3  }
0xc: {  	_ =	strace s3  }
0xd: {  	s3 =	sld [smem:$0x3FFD];
	_ =	sdelay $0x3  }
0xe: {  	_ =	strace s3  }
0xf: {  	_ =	strace $0x8FFFFFFF  }
0x10: {  	s20 =	sld [smem:$0x3FDB];
	_ =	sdelay $0x1  }
0x11: {  	s4 =	simm.s32 $_scs_section_size  }
0x12: {  	s5 =	simm.s32 $_size__tile_overlayer_lowered;
	s6 =	simm.s32 $_tile_overlayer_lowered  }
0x13: {  	s23 =	simm.s32 $0x1BFF;
	s22 =	sshll.u32 s6, $0x1;
	s3 =	sadd.s32 s4, s20  }
0x14: {  	s7 =	simm.s32 $0x0;
	s21 =	sshll.u32 s5, $0x1;
	s5 =	sadd.s32 s22, s3  }
0x15: {  	[timem:s7], [sflag:s23] =	dma.local [hbm:s5], s21  }
0x16: {  	_ =	swait.ge [sflag:s23], s21  }
0x17: {  	s4 =	ssub.s32 $0x0, s21;
	[sflag:s23] =	ssyncset.done $0x0  }
0x18: {  	[sflag:s23] =	ssyncadd.s32 s4;
	_ =	sdelay $0x1  }
0x19: {  	s24 =	simm.s32 $0x1B8B  }
0x1a: {  	_ =	swait.ge [sflag:s24], $0x1  }
0x1b: {  	[sflag:s24] =	ssyncset.done $0x0  }
0x1c: {  	s26 =	simm.s32 $0x1B8E;
	s25 =	sld [smem:$0x3FFE];
	[sflag:s24] =	ssyncadd.s32 $0xFFFFFFFF  }
0x1d: {  	s27 =	simm.s32 $execute0_lowered;
	[smem:$0x3FD2] =	sst s26  }
0x1e: {  	s5 =	sshll.u32 s27, $0x1;
	_ =	strace $0x80000046;
	[dreg:$0x1] =	wrdreg $0xFFFFFFFF  }
0x1f: {  	s28 =	simm.s32 $_size_execute0_lowered;
	s3 =	sadd.s32 s3, s5;
	[dreg:$0x0] =	wrdreg $0x0  }
0x20: {  	s5 =	sshll.u32 s28, $0x1;
	[dreg:$0x2] =	wrdreg s3  }
0x21: {  	[dreg:$0x3] =	wrdreg s5  }
0x22: {  	[dreg:$0x4] =	wrdreg $0xC0  }
0x23: {  	_ =	task [dreg:s7], $0x5FFFF  }
0x24: {  	[dreg:$0x1] =	wrdreg $0xFFFFFFFF  }
0x25: {  	[dreg:$0x0] =	wrdreg $0x60  }
0x26: {  	[dreg:$0x2] =	wrdreg s25  }
0x27: {  	[dreg:$0x3] =	wrdreg s2  }
0x28: {  	[dreg:$0x4] =	wrdreg $0xA  }
0x29: {  	_ =	task.clear_ibuf [dreg:s7], $0x5FFFF;
	_ =	strace $0x90000046  }
0x2a: {  	s29 =	simm.s32 $0xA;
	_ =	strace $0x80000048  }
0x2b: {  	_ =	swait.ge [sflag:s29], $0x1  }
0x2c: {  	[sflag:s29] =	ssyncadd.s32 $0xFFFFFFFF  }
0x2d: {  	_ =	strace $0x90000048  }
0x2e: {  	_ =	sfence  }
0x2f: {  	s30 =	sld [smem:$0x0];
	_ =	sdelay $0x2  }
0x30: {  	s31 =	sshll.u32 s1, $0xD;
	s1 =	sshrl.u32 s1, $0x2  }
0x31: {  	s3 =	sand.u32 $0x4000, s31;
	s1 =	sadd.s32 s1, s30  }
0x32: {  	s0 =	sor.u32 s3, s0;
	s1 =	sshll.u32 s1, $0x11  }
0x33: {  	s0 =	sor.u32 s1, s0  }
0x34: {  	s0 =	sadd.s32 $0x8F2B, s0  }
0x35: {  	[sflag:s0] =	ssyncadd.remote.s32 $0x1  }
0x36: {  	_ =	sfence.sel $0xFFFF  }
0x37: {  	[dreg:$0x0] =	wrdreg $0xFFFFFFFF;
	(pc) =	sbr.abs _section_cstart, $3  }
0x38: {  	[dreg:$0x1] =	wrdreg $0xFFFFFFFF  }
0x39: {  	_ =	task.clear_ibuf [dreg:s7], $0x2FFFF;
	_ =	strace $0x9FFFFFFF  }
0x3a: {  	(tm) =	ssettm $0x7FFFFFFF  }
0x3b: {  	_ =	shalt  }
tec
execute0_lowered:
.L_overlay_start_1:
0x0: {  	(tag) =	ssettag $0x1  }
0x1: {  	s0 =	srdreg.scid;
	s5 =	rddreg [dreg:$0x0]  }
0x2: {  	s2 =	rddreg [dreg:$0x1];
	s1 =	stileid.u32  }
0x3: {  	s4 =	simm.s32 $0x1;
	s6 =	simm.s32 $0x2;
	s15 =	simm.s32 $0x0  }
0x4: {  	p0 =	por $0x0, $0x0;
	s8 =	simm.s32 $0x80;
	s0 =	sshll.u32 s0, $0x4  }
0x5: {  	s14 =	simm.s32 $0x0;
	s9 =	simm.s32 $0x0;
	s3 =	sand.u32 $0x10, s0  }
.Ltmp0:
0x6: {  	s10 =	simm.s32 $0x0;
	s3 =	sor.u32 s1, s3;
	(pc) =	sbr.rel .LBB1_1-.Ltmp0, $4  }
0x7: {  	s0 =	rddreg [dreg:$0x2];
	_ =	strace $0x80000047;
	s3 =	sshll.u32 s3, $0x7  }
0x8: {  	s12 =	simm.s32 $0x0;
	[sflag:s4] =	ssyncpa.u1 $0x0;
	s7 =	ssub.s32 $0x40700, s3  }
0x9: {  	s13 =	simm.s32 $0x0;
	[sflag:s6] =	ssyncpa.u1 $0x0;
	s6 =	sshrl.u32 s7, $0xC  }
0xa: {  	s5 =	sadd.s32 $0x1200, s5;
	s11 =	smov.u32 s3;
	s7 =	sadd.s32 $0x2, s6  }
.LBB1_5:
0xb: {  	p1 =	slt.u32 s13, $0x2  }
0xc: {  	s17 =	smov.u32 s15;
	p2 =	sgt.s32 @!p1 s15, $0x406C0;
	s16 =	sshra.s32 @!p1 s15, $0x1F  }
0xd: {  	p3 =	sgt.s32 @!p1 s14, $0x60;
	s18 =	sshra.s32 @!p1 s14, $0x1F;
	p2 =	por !p2, p1  }
0xe: {  	s15 =	sand.u32 @!p1 s16, s15;
	p3 =	por !p3, p1;
	s16 =	smov.u32 s14  }
0xf: {  	s14 =	sand.u32 @!p1 s18, s14;
	s17 =	simm.s32 @p2 $0x406C0;
	s16 =	simm.s32 @p3 $0x60  }
0x10: {  	s15 =	ssub.s32 @!p1 s17, s15;
	s14 =	ssub.s32 @!p1 s16, s14  }
0x11: {  	s18 =	smov.u32 s12;
	s16 =	sadd.s32 @!p1 $0xFFFBF940, s15;
	s17 =	sadd.s32 @!p1 $0xFFFFFFA0, s14  }
0x12: {  	s15 =	ssub.s32 @!p1 $0x40740, s15;
	p2 =	sgt.s32 @!p1 s16, $0x7F;
	p3 =	sgt.s32 @!p1 s17, $0x1F  }
0x13: {  	s14 =	ssub.s32 @!p1 $0x80, s14;
	p2 =	por !p2, p1;
	p3 =	por !p3, p1  }
0x14: {  	s16 =	sadd.s32 $0x1000, s11;
	s15 =	simm.s32 @!p2 $0x0;
	s14 =	simm.s32 @!p3 $0x0  }
0x15: {  	p2 =	sgt.s32 s16, $0x4073F;
	s14 =	smul.u32 @!p1 s14, s15;
	s15 =	sadd.s32 $0x20, s12  }
0x16: {  	s18 =	smov.u32 @p2 s15  }
0x17: {  	s16 =	smov.u32 @p2 s3;
	p2 =	sgt.s32 s18, $0x1F  }
0x18: {  	s18 =	simm.s32 @p2 $0x0;
	p2 =	sne.s32 s13, s7  }
.Ltmp1:
0x19: {  	p0 =	por !p0, !p0;
	s17 =	simm.s32 @!p1 $0x2;
	(pc) =	sbr.rel @!p2 .LBB1_6-.Ltmp1, $4  }
0x1a: {  	s15 =	smov.u32 s9;
	s9 =	smov.u32 s11;
	s14 =	sand.u32 @!p1 $0x3FFFFFFF, s14  }
0x1b: {  	s11 =	smov.u32 s16;
	_ =	swait.ge @!p1 [sflag:s17], s14;
	s19 =	ssub.s32 @!p1 $0x0, s14  }
0x1c: {  	s14 =	smov.u32 s10;
	s13 =	sadd.s32 $0x1, s13;
	[sflag:s17] =	ssyncset.done @!p1 $0x0  }
0x1d: {  	s10 =	smov.u32 s12;
	s12 =	smov.u32 s18;
	[sflag:s17] =	ssyncadd.s32 @!p1 s19  }
.LBB1_1:
0x1e: {  	p1 =	sgt.u32 s13, s6  }
0x1f: {  	s16 =	sshrl.u32 @!p1 s12, $0x3  }
0x20: {  	s17 =	sshll.u32 @!p1 s11, $0x3;
	s16 =	smul.u32 @!p1 $0x203C00, s16  }
0x21: {  	s18 =	sshll.u32 @!p1 s12, $0x7;
	s17 =	sand.u32 @!p1 $0xFFFFFC00, s17  }
0x22: {  	s16 =	sadd.s32 @!p1 s16, s17;
	s17 =	sand.u32 @!p1 $0x380, s18  }
0x23: {  	s18 =	sand.u32 @!p1 $0x7F, s11;
	s16 =	sor.u32 @!p1 s17, s16  }
0x24: {  	s17 =	sor.u32 @!p1 s18, s16  }
0x25: {  	s18 =	smulhi.u32 @!p1 $0xFE237D75, s17;
	_ =	sdelay $0x1  }
0x26: {  	s16 =	smulhi.u32 @!p1 $0xFE237D75, s16;
	s18 =	sshrl.u32 @!p1 s18, $0x12  }
0x27: {  	s18 =	smul.u32 @!p1 $0x40780, s18  }
0x28: {  	s19 =	sxor.u32 @!p1 $0xFFFFFFFF, s13;
	s16 =	sshrl.u32 @!p1 s16, $0x12  }
0x29: {  	s19 =	sshll.u32 @!p1 s19, $0xC;
	s16 =	sand.u32 @!p1 $0x1F, s16;
	s17 =	ssub.s32 @!p1 s17, s18  }
0x2a: {  	s16 =	smul.u32 @!p1 $0x80F0, s16;
	s18 =	sshrl.u32 @!p1 s17, $0x3;
	s17 =	sand.u32 @!p1 $0x7, s17  }
0x2b: {  	s19 =	sand.u32 @!p1 $0x1000, s19;
	s18 =	sadd.s32 @!p1 s5, s18;
	s17 =	sshll.u32 @!p1 s17, $0x12  }
0x2c: {  	s16 =	sadd.s32 @!p1 s16, s18;
	s17 =	sor.u32 @!p1 $0x400, s17;
	s18 =	simm.s32 @!p1 $0x203C00  }
0x2d: {  	[tilespmem:s19], [sflag:$0x1] =	stream.strided.gather @!p1 [hbm4b:s16+s17], $0x1000, s18, s17, $0x38;
	[tilespmem:$0x4100] =	vst v63  }
0x2e: {  	p1 =	seq.s32 s13, $0x0  }
0x2f: {  	p2 =	sge.u32 @!p1 s13, s7  }
0x30: {  	p1 =	por p1, p2  }
.Ltmp2:
0x31: {  	_ = 	snop;
	(pc) =	sbr.rel @p1 .LBB1_5-.Ltmp2, $1  }
0x32: {  	_ =	sdelay $0x3  }
0x33: {  	s16 =	simm.s32 $0x1  }
0x34: {  	_ =	swait.ge [sflag:s4], $0x1000;
	s16 =	simm.s32 @!p0 $0x0  }
0x35: {  	[sflag:s4] =	ssyncset.done $0x0;
	s17 =	sshll.u32 s16, $0xC  }
0x36: {  	[sflag:s4] =	ssyncadd.s32 $0xFFFFF000;
	s17 =	sor.u32 $0x40, s17  }
0x37: {  	s16 =	smul.u32 $0x4200, s16;
	v0 =	vld [tilespmem:s17+$0x30]  }
0x38: {  	v1 =	vld [tilespmem:s17+$0xFFFFFFD0]  }
0x39: {  	s16 =	sshrl.u32 s16, $0x2;
	v5 =	vld [tilespmem:s17+$0xFFFFFFE0]  }
0x3a: {  	v6 =	vld [tilespmem:s17+$0xFFFFFFF0];
	s19 =	sor.u32 $0x2000, s16  }
0x3b: {  	s31 =	sand.u32 $0x1, s13;
	v4 =	vld [tilespmem:s17+$0x0];
	s18 =	sadd.s32 $0x0, s19  }
0x3c: {  	v3 =	vld [tilespmem:s17+$0x10];
	s16 =	smul.u32 $0x4200, s31;
	[tilespmem:s18+$0xE70 ss:$0x21] =	vst.msk $0xffff, v0  }
0x3d: {  	v2 =	vld [tilespmem:s17+$0x20];
	[tilespmem:s18+$0x210 ss:$0x21] =	vst.msk $0xffff, v1  }
0x3e: {  	s16 =	sshrl.u32 s16, $0x2;
	v1 =	vld [tilespmem:s17+$0xFFFFFFC0];
	[tilespmem:s18+$0x420 ss:$0x21] =	vst.msk $0xffff, v5;
	s17 =	sadd.s32 $0x80, s17  }
0x3f: {  	s20 =	simm.s32 $0x4;
	s21 =	simm.s32 $0x8;
	s16 =	sor.u32 $0x2000, s16;
	[tilespmem:s18+$0x630 ss:$0x21] =	vst.msk $0xffff, v6;
	v0 =	vld [tilespmem:s17+$0x30]  }
.LBB1_3:
0x40: {  	p1 =	sne.s32 s21, $0x7C;
	v5 =	vld [tilespmem:s17+$0xFFFFFFD0];
	[tilespmem:s18+$0x840 ss:$0x21] =	vst.msk $0xffff, v4  }
0x41: {  	v6 =	vld [tilespmem:s17+$0xFFFFFFE0];
	[tilespmem:s18+$0xA50 ss:$0x21] =	vst.msk $0xffff, v3  }
0x42: {  	s22 =	sshra.s32 s20, $0x2;
	s20 =	smov.u32 s21;
	v7 =	vld [tilespmem:s17+$0xFFFFFFF0];
	[tilespmem:s18+$0xC60 ss:$0x21] =	vst.msk $0xffff, v2  }
.Ltmp3:
0x43: {  	v4 =	vld [tilespmem:s17+$0x0];
	[tilespmem:s18+$0x0 ss:$0x21] =	vst.msk $0xffff, v1;
	s18 =	sadd.s32 s22, s19;
	(pc) =	sbr.rel @p1 .LBB1_3-.Ltmp3, $4  }
0x44: {  	v3 =	vld [tilespmem:s17+$0x10];
	[tilespmem:s18+$0xE70 ss:$0x21] =	vst.msk $0xffff, v0  }
0x45: {  	[tilespmem:s18+$0x210 ss:$0x21] =	vst.msk $0xffff, v5;
	v2 =	vld [tilespmem:s17+$0x20]  }
0x46: {  	v1 =	vld [tilespmem:s17+$0xFFFFFFC0];
	[tilespmem:s18+$0x420 ss:$0x21] =	vst.msk $0xffff, v6;
	s17 =	sadd.s32 $0x80, s17  }
0x47: {  	s21 =	sadd.s32 $0x4, s21;
	v0 =	vld [tilespmem:s17+$0x30];
	[tilespmem:s18+$0x630 ss:$0x21] =	vst.msk $0xffff, v7  }
0x48: {  	s21 =	sshll.u32 s9, $0x7;
	s22 =	sshll.u32 s10, $0x3;
	s20 =	sshra.s32 s20, $0x2  }
0x49: {  	p1 =	sgt.s32 s9, $0x406C0;
	s30 =	sshra.s32 s9, $0x1F;
	s25 =	sshra.s32 s10, $0x1F  }
0x4a: {  	v5 =	vld [tilespmem:s17+$0xFFFFFFD0];
	s28 =	sshrl.u32 s10, $0x3;
	s23 =	sand.u32 $0xFFFFFC00, s21;
	s22 =	sand.u32 $0xFFFFFC00, s22  }
0x4b: {  	[tilespmem:s18+$0x840 ss:$0x21] =	vst.msk $0xffff, v4;
	v58 =	vld [tilespmem:s17+$0xFFFFFFE0];
	s21 =	sand.u32 $0x380, s21;
	s19 =	sadd.s32 s20, s19;
	s22 =	sadd.s32 s22, s23  }
0x4c: {  	v59 =	vld [tilespmem:s17+$0xFFFFFFF0];
	[tilespmem:s18+$0xA50 ss:$0x21] =	vst.msk $0xffff, v3;
	s29 =	sor.u32 s21, s22;
	s21 =	smov.u32 s9;
	s22 =	sand.u32 s30, s9  }
0x4d: {  	v60 =	vld [tilespmem:s17+$0x0];
	[tilespmem:s18+$0xC60 ss:$0x21] =	vst.msk $0xffff, v2;
	s30 =	sand.u32 $0x7, s10;
	s20 =	sshrl.u32 s29, $0x7;
	s21 =	simm.s32 @!p1 $0x406C0  }
0x4e: {  	v61 =	vld [tilespmem:s17+$0x10];
	[tilespmem:s18+$0x0 ss:$0x21] =	vst.msk $0xffff, v1;
	p1 =	sgt.s32 s10, $0x60;
	s24 =	ssub.s32 s21, s22;
	s21 =	smov.u32 s10  }
0x4f: {  	v62 =	vld [tilespmem:s17+$0x20];
	[tilespmem:s19+$0xE70 ss:$0x21] =	vst.msk $0xffff, v0;
	s31 =	smulhi.u32 $0x1FC6687, s20;
	s22 =	sand.u32 s25, s10;
	s21 =	simm.s32 @!p1 $0x60  }
0x50: {  	v63 =	vld [tilespmem:s17+$0xFFFFFFC0];
	[tilespmem:s19+$0x210 ss:$0x21] =	vst.msk $0xffff, v5;
	s26 =	sadd.s32 $0xFFFBF940, s24;
	s17 =	ssub.s32 $0x40740, s24;
	s21 =	ssub.s32 s21, s22  }
0x51: {  	[tilespmem:s19+$0x420 ss:$0x21] =	vst.msk $0xffff, v58;
	s23 =	sshrl.u32 s31, $0xB;
	p1 =	sgt.s32 s26, $0x7F;
	s27 =	sadd.s32 $0xFFFFFFA0, s21  }
0x52: {  	[tilespmem:s19+$0x630 ss:$0x21] =	vst.msk $0xffff, v59;
	s23 =	smul.u32 $0x40740, s23;
	s18 =	ssub.s32 $0x80, s21;
	p2 =	sgt.s32 s27, $0x1F  }
.Ltmp4:
0x53: {  	[tilespmem:s19+$0x840 ss:$0x21] =	vst.msk $0xffff, v60;
	s17 =	simm.s32 @p1 $0x0;
	s18 =	simm.s32 @p2 $0x0;
	(pc) =	sbr.rel .LBB1_5-.Ltmp4, $4  }
0x54: {  	s29 =	sand.u32 $0xF, s28;
	[tilespmem:s19+$0xA50 ss:$0x21] =	vst.msk $0xffff, v61;
	s20 =	ssub.s32 s20, s23;
	s17 =	smul.u32 s18, s17  }
0x55: {  	[tilespmem:s19+$0xC60 ss:$0x21] =	vst.msk $0xffff, v62;
	s21 =	sshll.u32 s30, $0x12;
	s20 =	sshll.u32 s20, $0x4;
	s18 =	sadd.s32 s2, s29  }
0x56: {  	[tilespmem:s19+$0x0 ss:$0x21] =	vst.msk $0xffff, v63;
	s31 =	sor.u32 $0x20, s21;
	s18 =	sadd.s32 s20, s18;
	s17 =	sand.u32 $0x3FFFFFFF, s17  }
0x57: {  	[hbm4b:s18+s31] =	stream.strided.scatter [tilespmem:s16], [sflag:$0x2], s17, s8, s31, $0x10;
	[tilespmem:$0x4100] =	vst v63  }
.LBB1_6:
0x58: {  	_ =	sfence.sel $0x180000  }
0x59: {  	s2 =	simm.s32 $0x1;
	[bflag:$0x0] =	sbarrier.arrive $0xFFFF  }
0x5a: {  	s31 =	simm.s32 $0x2;
	[sflag:s2] =	ssyncpa.u1 $0x1  }
0x5b: {  	[sflag:s31] =	ssyncpa.u1 $0x1  }
0x5c: {  	p0 =	sne.s32 s1, $0x0;
	_ =	strace $0x90000047  }
0x5d: {  	s0 =	sadd.s32 @!p0 $0x100000, s0;
	[bflag:$0x2] =	sbarrier.arrive $0xFFFF  }
0x5e: {  	[sflag:s0] =	ssyncadd.tile.s32 @!p0 $0x1;
	_ =	shalt  }
.Lfunc_end1:
_tile_overlayer_lowered:
.L_overlay_start_2:
0x5f: {  	(tag) =	ssettag $0x2  }
0x60: {  	s0 =	rddreg [dreg:$0x0];
	s2 =	stileid.u32  }
0x61: {  	s1 =	rddreg [dreg:$0x1];
	p0 =	sne.s32 s2, $0x0  }
0x62: {  	s3 =	rddreg [dreg:$0x2];
	[bflag:$0x3] =	sbarrier.arrive $0xFFFF;
	s2 =	simm.s32 @!p0 $0x1C01  }
0x63: {  	[timem:s3], [sflag:s2] =	dma.local @!p0 [hbm:s0], s1  }
0x64: {  	s0 =	simm.s32 @!p0 $0x1  }
0x65: {  	_ =	swait.ge @!p0 [sflag:s0], s1  }
0x66: {  	s1 =	ssub.s32 @!p0 $0x0, s1;
	[sflag:s0] =	ssyncset.done @!p0 $0x0  }
0x67: {  	[sflag:s0] =	ssyncadd.s32 @!p0 s1  }
0x68: {  	[bflag:$0x3] =	sbarrier.arrive $0xFFFF  }
0x69: {  	_ =	shalt  }

// kernel: sparse-core-data-format-call.cloned.1.call-start
scs
called_computation_lowered:
.L_overlay_start_0:
0x0: {  	s2 =	sld [smem:$0x3FD9]  }
0x1: {  	s3 =	sld [smem:$0x3FFE];
	_ =	sdelay $0x1  }
0x2: {  	s1 =	srdreg.scid  }
0x3: {  	s0 =	sand.u32 $0x1, s1  }
0x4: {  	s18 =	sshll.u32 s0, $0xA;
	s2 =	sadd.s32 s3, s2  }
0x5: {  	s2 =	sadd.s32 s2, s18  }
0x6: {  	[smem:$0x3FC0] =	sst s2  }
0x7: {  	_ = 	snop  }
0x8: {  	(tm) =	ssettm $0x1  }
0x9: {  	s19 =	sld [smem:$0x3FFB];
	_ =	sdelay $0x3  }
0xa: {  	_ =	strace s19  }
0xb: {  	s2 =	sld [smem:$0x3FFC];
	_ =	sdelay $0x3  }
0xc: {  	_ =	strace s2  }
0xd: {  	s2 =	sld [smem:$0x3FFD];
	_ =	sdelay $0x3  }
0xe: {  	_ =	strace s2  }
0xf: {  	_ =	strace $0x8FFFFFFF  }
0x10: {  	s20 =	sld [smem:$0x3FDB];
	_ =	sdelay $0x1  }
0x11: {  	s21 =	simm.s32 $_scs_section_size  }
0x12: {  	s4 =	simm.s32 $_size__tile_overlayer_lowered;
	s5 =	simm.s32 $_tile_overlayer_lowered  }
0x13: {  	s6 =	simm.s32 $0x1BFF;
	s22 =	sshll.u32 s5, $0x1;
	s3 =	sadd.s32 s21, s20  }
0x14: {  	s23 =	simm.s32 $0x0;
	s4 =	sshll.u32 s4, $0x1;
	s5 =	sadd.s32 s22, s3  }
0x15: {  	[timem:s23], [sflag:s6] =	dma.local [hbm:s5], s4  }
0x16: {  	_ =	swait.ge [sflag:s6], s4  }
0x17: {  	s4 =	ssub.s32 $0x0, s4;
	[sflag:s6] =	ssyncset.done $0x0  }
0x18: {  	[sflag:s6] =	ssyncadd.s32 s4;
	_ =	sdelay $0x1  }
0x19: {  	s24 =	simm.s32 $0x1B8B  }
0x1a: {  	_ =	swait.ge [sflag:s24], $0x1  }
0x1b: {  	[sflag:s24] =	ssyncset.done $0x0  }
0x1c: {  	[sflag:s24] =	ssyncadd.s32 $0xFFFFFFFF  }
0x1d: {  	s4 =	sld [smem:$0x0]  }
0x1e: {  	s5 =	sand.u32 $0xFFFFFFFE, s1  }
0x1f: {  	p0 =	sne.s32 s1, s5  }
0x20: {  	s5 =	sshll.u32 @p0 s5, $0xE  }
0x21: {  	s5 =	sadd.s32 @p0 $0x11B8D, s5;
	s6 =	sshll.u32 @p0 s4, $0x11  }
0x22: {  	s5 =	sor.u32 @p0 s6, s5  }
0x23: {  	[sflag:s5] =	ssyncadd.remote.s32 @p0 $0x1;
	_ =	sdelay $0x1  }
0x24: {  	s5 =	simm.s32 @p0 $0x1B8D  }
0x25: {  	_ =	swait.eq @p0 [sflag:s5], $0x1  }
0x26: {  	[sflag:s5] =	ssyncadd.s32 @p0 $0xFFFFFFFF  }
0x27: {  	s6 =	sshll.u32 @!p0 s1, $0xE  }
0x28: {  	s6 =	sor.u32 @!p0 $0x4000, s6;
	s5 =	simm.s32 @!p0 $0x1B8D  }
0x29: {  	s4 =	sshll.u32 @!p0 s4, $0x11;
	s6 =	sadd.s32 @!p0 $0x11B8D, s6;
	_ =	swait.eq @!p0 [sflag:s5], $0x1  }
0x2a: {  	s4 =	sor.u32 @!p0 s4, s6;
	[sflag:s5] =	ssyncadd.s32 @!p0 $0xFFFFFFFF  }
0x2b: {  	s26 =	simm.s32 $0x1B8E;
	s25 =	sld [smem:$0x3FFE];
	[sflag:s4] =	ssyncadd.remote.s32 @!p0 $0x1  }
0x2c: {  	s27 =	simm.s32 $execute0_lowered;
	[smem:$0x3FD2] =	sst s26  }
0x2d: {  	s5 =	sshll.u32 s27, $0x1;
	_ =	strace $0x80000049;
	[dreg:$0x1] =	wrdreg $0xFFFFFFFF  }
0x2e: {  	s28 =	simm.s32 $_size_execute0_lowered;
	s3 =	sadd.s32 s3, s5;
	[dreg:$0x0] =	wrdreg $0x0  }
0x2f: {  	s5 =	sshll.u32 s28, $0x1;
	[dreg:$0x2] =	wrdreg s3  }
0x30: {  	[dreg:$0x3] =	wrdreg s5  }
0x31: {  	[dreg:$0x4] =	wrdreg $0xC0  }
0x32: {  	_ =	task [dreg:s23], $0x5FFFF  }
0x33: {  	[dreg:$0x1] =	wrdreg $0xFFFFFFFF  }
0x34: {  	[dreg:$0x0] =	wrdreg $0x60  }
0x35: {  	[dreg:$0x2] =	wrdreg s25  }
0x36: {  	[dreg:$0x3] =	wrdreg $0x9  }
0x37: {  	_ =	task.clear_ibuf [dreg:s23], $0x4FFFF;
	_ =	strace $0x90000049  }
0x38: {  	s29 =	simm.s32 $0x9;
	_ =	strace $0x8000004B  }
0x39: {  	_ =	swait.ge [sflag:s29], $0x1  }
0x3a: {  	[sflag:s29] =	ssyncadd.s32 $0xFFFFFFFF  }
0x3b: {  	_ =	strace $0x9000004B  }
0x3c: {  	_ =	sfence  }
0x3d: {  	s30 =	sld [smem:$0x0];
	_ =	sdelay $0x2  }
0x3e: {  	s31 =	sshll.u32 s1, $0xD;
	s1 =	sshrl.u32 s1, $0x2  }
0x3f: {  	s4 =	sand.u32 $0x4000, s31;
	s1 =	sadd.s32 s1, s30  }
0x40: {  	s0 =	sor.u32 s4, s0;
	s1 =	sshll.u32 s1, $0x11  }
0x41: {  	s0 =	sor.u32 s1, s0  }
0x42: {  	s0 =	sadd.s32 $0x8F2B, s0  }
0x43: {  	[sflag:s0] =	ssyncadd.remote.s32 $0x1  }
0x44: {  	_ =	sfence.sel $0xFFFF  }
0x45: {  	[dreg:$0x0] =	wrdreg $0xFFFFFFFF;
	(pc) =	sbr.abs _section_cstart, $3  }
0x46: {  	[dreg:$0x1] =	wrdreg $0xFFFFFFFF  }
0x47: {  	_ =	task.clear_ibuf [dreg:s23], $0x2FFFF;
	_ =	strace $0x9FFFFFFF  }
0x48: {  	(tm) =	ssettm $0x7FFFFFFF  }
0x49: {  	_ =	shalt  }
tec
execute0_lowered:
.L_overlay_start_1:
0x0: {  	(tag) =	ssettag $0x1  }
0x1: {  	s0 =	srdreg.scid  }
0x2: {  	s5 =	rddreg [dreg:$0x0];
	s1 =	sshll.u32 s0, $0x4  }
0x3: {  	s4 =	simm.s32 $0x1;
	s0 =	stileid.u32;
	s1 =	sand.u32 $0x10, s1  }
0x4: {  	s8 =	simm.s32 $0x2;
	s13 =	simm.s32 $0x0;
	s2 =	sor.u32 s0, s1  }
0x5: {  	s9 =	simm.s32 $0x320000;
	s10 =	simm.s32 $0x0;
	s2 =	sshll.u32 s2, $0x5  }
0x6: {  	s12 =	simm.s32 $0x0;
	s3 =	sadd.s32 $0x293000, s5;
	s6 =	ssub.s32 $0x6400, s2  }
.Ltmp0:
0x7: {  	s1 =	rddreg [dreg:$0x1];
	s7 =	sand.u32 $0x3E0, s6;
	(pc) =	sbr.rel .LBB1_1-.Ltmp0, $4  }
0x8: {  	_ =	strace $0x8000004A;
	p0 =	sne.s32 s7, $0x0;
	s7 =	simm.s32 $0x1  }
0x9: {  	[sflag:s4] =	ssyncpa.u1 $0x0;
	s6 =	sshrl.u32 s6, $0xA;
	s7 =	simm.s32 @!p0 $0x0  }
0xa: {  	s5 =	sadd.s32 $0x103000, s5;
	[sflag:s8] =	ssyncpa.u1 $0x0;
	s6 =	sadd.s32 s7, s6  }
0xb: {  	s8 =	simm.s32 $0x1000;
	s11 =	smov.u32 s2;
	s7 =	sadd.s32 $0x1, s6  }
.LBB1_7:
0xc: {  	s15 =	sadd.s32 $0x400, s11  }
0xd: {  	p1 =	sgt.s32 s15, $0x63FF  }
0xe: {  	s15 =	smov.u32 @p1 s2;
	p1 =	sne.s32 s12, s7  }
.Ltmp1:
0xf: {  	p0 =	slt.u32 s12, $0x2;
	(pc) =	sbr.rel @!p1 .LBB1_8-.Ltmp1, $4  }
0x10: {  	s14 =	simm.s32 @!p0 $0x2  }
0x11: {  	s16 =	sadd.s32 $0x1, s12;
	_ =	swait.ge @!p0 [sflag:s14], $0x4000  }
0x12: {  	s13 =	smov.u32 s11;
	s10 =	sadd.s32 $0x4000, s10;
	[sflag:s14] =	ssyncset.done @!p0 $0x0  }
0x13: {  	s12 =	smov.u32 s16;
	s11 =	smov.u32 s15;
	[sflag:s14] =	ssyncadd.s32 @!p0 $0xFFFFC000  }
.LBB1_1:
0x14: {  	p0 =	sge.u32 s12, s6  }
0x15: {  	s14 =	sxor.u32 @!p0 $0xFFFFFFFF, s12  }
0x16: {  	s31 =	sadd.s32 $0xFFFFFFFF, s12;
	s15 =	sshll.u32 @!p0 s11, $0x6;
	s14 =	sshll.u32 @!p0 s14, $0xE  }
0x17: {  	s16 =	simm.s32 @!p0 $0x0;
	s15 =	sadd.s32 @!p0 s3, s15;
	s14 =	sand.u32 @!p0 $0x4000, s14  }
0x18: {  	[tilespmem:s14], [sflag:$0x1] =	stream.linear.gather @!p0 [hbm4b:s15+s16], $0x4000, $0x38;
	[tilespmem:$0x10000] =	vst v63  }
0x19: {  	p0 =	sge.u32 s31, s6  }
.Ltmp2:
0x1a: {  	_ = 	snop;
	(pc) =	sbr.rel @p0 .LBB1_7-.Ltmp2, $1  }
0x1b: {  	_ =	sdelay $0x3  }
0x1c: {  	s14 =	sand.u32 $0x4000, s10  }
0x1d: {  	_ =	swait.ge [sflag:s4], $0x4000;
	s17 =	sshll.u32 s12, $0xE;
	s15 =	sor.u32 $0x8040, s14  }
0x1e: {  	s16 =	sor.u32 $0x40, s14;
	[sflag:s4] =	ssyncset.done $0x0;
	s31 =	sand.u32 $0x4000, s17  }
0x1f: {  	s17 =	simm.s32 $0x0;
	[sflag:s4] =	ssyncadd.s32 $0xFFFFC000;
	s14 =	sor.u32 $0x8000, s31  }
.LBB1_3:
0x20: {  	v0 =	vmov s16;
	_ =	sdelay $0x3  }
0x21: {  	s19 =	simm.s32 $0x0  }
0x22: {  	v6 =	vld.idx.msk [tilespmem:v0+s19+$0x30 ss:$0x1], $0xffff  }
0x23: {  	v7 =	vld.idx.msk [tilespmem:v0+s19+$0xFFFFFFC0 ss:$0x1], $0xffff  }
0x24: {  	v5 =	vld.idx.msk [tilespmem:v0+s19+$0xFFFFFFD0 ss:$0x1], $0xffff  }
0x25: {  	v4 =	vld.idx.msk [tilespmem:v0+s19+$0xFFFFFFE0 ss:$0x1], $0xffff  }
0x26: {  	v3 =	vld.idx.msk [tilespmem:v0+s19+$0xFFFFFFF0 ss:$0x1], $0xffff  }
0x27: {  	v1 =	vld.idx.msk [tilespmem:v0+s19+$0x0 ss:$0x1], $0xffff  }
0x28: {  	v2 =	vld.idx.msk [tilespmem:v0+s19+$0x10 ss:$0x1], $0xffff;
	[tilespmem:s15+$0x30] =	vst v6  }
0x29: {  	s18 =	simm.s32 $0x80;
	s20 =	simm.s32 $0x400;
	[tilespmem:s15+$0xFFFFFFC0] =	vst v7;
	v6 =	vld.idx.msk [tilespmem:v0+s19+$0x20 ss:$0x1], $0xffff;
	s19 =	smov.u32 s15  }
.LBB1_4:
0x2a: {  	p0 =	sne.s32 s20, $0x600;
	v7 =	vld.idx.msk [tilespmem:v0+s18+$0x30 ss:$0x1], $0xffff;
	[tilespmem:s19+$0xFFFFFFD0] =	vst v5  }
0x2b: {  	v8 =	vld.idx.msk [tilespmem:v0+s18+$0xFFFFFFC0 ss:$0x1], $0xffff;
	[tilespmem:s19+$0xFFFFFFE0] =	vst v4  }
0x2c: {  	v5 =	vld.idx.msk [tilespmem:v0+s18+$0xFFFFFFD0 ss:$0x1], $0xffff;
	[tilespmem:s19+$0xFFFFFFF0] =	vst v3  }
.Ltmp3:
0x2d: {  	v4 =	vld.idx.msk [tilespmem:v0+s18+$0xFFFFFFE0 ss:$0x1], $0xffff;
	[tilespmem:s19+$0x0] =	vst v1;
	(pc) =	sbr.rel @p0 .LBB1_4-.Ltmp3, $4  }
0x2e: {  	v3 =	vld.idx.msk [tilespmem:v0+s18+$0xFFFFFFF0 ss:$0x1], $0xffff;
	[tilespmem:s19+$0x10] =	vst v2  }
0x2f: {  	v1 =	vld.idx.msk [tilespmem:v0+s18+$0x0 ss:$0x1], $0xffff;
	[tilespmem:s19+$0x20] =	vst v6;
	s19 =	sadd.s32 $0x1000, s19  }
0x30: {  	v2 =	vld.idx.msk [tilespmem:v0+s18+$0x10 ss:$0x1], $0xffff;
	[tilespmem:s19+$0x30] =	vst v7  }
0x31: {  	[tilespmem:s19+$0xFFFFFFC0] =	vst v8;
	v6 =	vld.idx.msk [tilespmem:v0+s18+$0x20 ss:$0x1], $0xffff;
	s18 =	sshra.s32 s20, $0x2;
	s20 =	sadd.s32 $0x200, s20  }
0x32: {  	_ =	sdelay $0x2  }
0x33: {  	[tilespmem:s19+$0xFFFFFFD0] =	vst v5  }
0x34: {  	v56 =	vld.idx.msk [tilespmem:v0+s18+$0x30 ss:$0x1], $0xffff;
	[tilespmem:s19+$0xFFFFFFE0] =	vst v4  }
0x35: {  	v57 =	vld.idx.msk [tilespmem:v0+s18+$0xFFFFFFC0 ss:$0x1], $0xffff;
	[tilespmem:s19+$0xFFFFFFF0] =	vst v3  }
0x36: {  	v58 =	vld.idx.msk [tilespmem:v0+s18+$0xFFFFFFD0 ss:$0x1], $0xffff;
	[tilespmem:s19+$0x0] =	vst v1  }
0x37: {  	v59 =	vld.idx.msk [tilespmem:v0+s18+$0xFFFFFFE0 ss:$0x1], $0xffff;
	[tilespmem:s19+$0x10] =	vst v2  }
0x38: {  	v60 =	vld.idx.msk [tilespmem:v0+s18+$0xFFFFFFF0 ss:$0x1], $0xffff;
	s31 =	sadd.s32 $0x1000, s19;
	[tilespmem:s19+$0x20] =	vst v6  }
0x39: {  	v61 =	vld.idx.msk [tilespmem:v0+s18+$0x0 ss:$0x1], $0xffff;
	[tilespmem:s31+$0x30] =	vst v56  }
0x3a: {  	v62 =	vld.idx.msk [tilespmem:v0+s18+$0x10 ss:$0x1], $0xffff;
	s17 =	sadd.s32 $0x1, s17;
	[tilespmem:s31+$0xFFFFFFC0] =	vst v57  }
0x3b: {  	v63 =	vld.idx.msk [tilespmem:v0+s18+$0x20 ss:$0x1], $0xffff;
	p0 =	sne.s32 s17, $0x20;
	[tilespmem:s31+$0xFFFFFFD0] =	vst v58  }
.Ltmp4:
0x3c: {  	[tilespmem:s31+$0xFFFFFFE0] =	vst v59;
	(pc) =	sbr.rel @p0 .LBB1_3-.Ltmp4, $4  }
0x3d: {  	[tilespmem:s31+$0xFFFFFFF0] =	vst v60  }
0x3e: {  	[tilespmem:s31+$0x0] =	vst v61  }
0x3f: {  	[tilespmem:s31+$0x10] =	vst v62  }
0x40: {  	s15 =	sadd.s32 $0x80, s15;
	s16 =	sadd.s32 $0x200, s16;
	[tilespmem:s31+$0x20] =	vst v63  }
0x41: {  	s13 =	sand.u32 $0x1FFFFFF, s13  }
0x42: {  	s15 =	smulhi.u32 $0x147AE15, s13;
	_ =	sdelay $0x1  }
0x43: {  	s15 =	sshrl.u32 s15, $0x7  }
0x44: {  	s15 =	smul.u32 $0x6400, s15  }
.Ltmp5:
0x45: {  	_ = 	snop;
	(pc) =	sbr.rel .LBB1_7-.Ltmp5, $4  }
0x46: {  	s13 =	ssub.s32 s13, s15  }
0x47: {  	s13 =	sshll.u32 s13, $0x4  }
0x48: {  	s13 =	sadd.s32 s5, s13  }
0x49: {  	[hbm4b:s13+s8] =	stream.strided.scatter [tilespmem:s14], [sflag:$0x2], $0x4000, s9, s8, $0x38;
	[tilespmem:$0x10000] =	vst v63  }
.LBB1_8:
0x4a: {  	_ =	sfence.sel $0x180000  }
0x4b: {  	s2 =	simm.s32 $0x1;
	[bflag:$0x0] =	sbarrier.arrive $0xFFFF  }
0x4c: {  	s31 =	simm.s32 $0x2;
	[sflag:s2] =	ssyncpa.u1 $0x1  }
0x4d: {  	[sflag:s31] =	ssyncpa.u1 $0x1  }
0x4e: {  	p0 =	sne.s32 s0, $0x0;
	_ =	strace $0x9000004A  }
0x4f: {  	s0 =	sadd.s32 @!p0 $0x100000, s1;
	[bflag:$0x2] =	sbarrier.arrive $0xFFFF  }
0x50: {  	[sflag:s0] =	ssyncadd.tile.s32 @!p0 $0x1;
	_ =	shalt  }
.Lfunc_end1:
_tile_overlayer_lowered:
.L_overlay_start_2:
0x51: {  	(tag) =	ssettag $0x2  }
0x52: {  	s0 =	rddreg [dreg:$0x0];
	s2 =	stileid.u32  }
0x53: {  	s1 =	rddreg [dreg:$0x1];
	p0 =	sne.s32 s2, $0x0  }
0x54: {  	s3 =	rddreg [dreg:$0x2];
	[bflag:$0x3] =	sbarrier.arrive $0xFFFF;
	s2 =	simm.s32 @!p0 $0x1C01  }
0x55: {  	[timem:s3], [sflag:s2] =	dma.local @!p0 [hbm:s0], s1  }
0x56: {  	s0 =	simm.s32 @!p0 $0x1  }
0x57: {  	_ =	swait.ge @!p0 [sflag:s0], s1  }
0x58: {  	s1 =	ssub.s32 @!p0 $0x0, s1;
	[sflag:s0] =	ssyncset.done @!p0 $0x0  }
0x59: {  	[sflag:s0] =	ssyncadd.s32 @!p0 s1  }
0x5a: {  	[bflag:$0x3] =	sbarrier.arrive $0xFFFF  }
0x5b: {  	_ =	shalt  }

</sc_bundles>
